<compile_context>
chip_gen: v7x
topology: tpu7x:2x2x1
jax: 0.10.2.dev20260603
libtpu: 0.0.44.dev20260713+nightly
codegen_flags: <defaults>
</compile_context>

<pallas_src>
import functools

import jax
import jax.numpy as jnp
from jax import lax
from jax.experimental import pallas as pl
from jax.experimental.pallas import tpu as pltpu
from jax.experimental.pallas import tpu_sc as plsc

N_NODES = 10000
N_EDGES = 320000
D = 128
L = 16

_NC = 2
_NS = 16
_NW = _NC * _NS

_EW = N_EDGES // _NW
_C = 200
_NCHUNK = _EW // _C


def _mlp_body(x_ref, w1_ref, b1_ref, w2_ref, b2_ref, h_ref):
    g = jnp.dot(x_ref[...], w1_ref[...], preferred_element_type=jnp.float32)
    g = jnp.maximum(g + b1_ref[...], 0.0)
    h = jnp.dot(g, w2_ref[...], preferred_element_type=jnp.float32)
    h_ref[...] = (h + b2_ref[...]).astype(jnp.bfloat16)


def _mlp(x, W1, b1, W2, b2):
    n = x.shape[0]
    bn = 2000
    return pl.pallas_call(
        _mlp_body,
        grid=(n // bn,),
        in_specs=[
            pl.BlockSpec((bn, D), lambda i: (i, 0)),
            pl.BlockSpec((D, D), lambda i: (0, 0)),
            pl.BlockSpec((1, D), lambda i: (0, 0)),
            pl.BlockSpec((D, D), lambda i: (0, 0)),
            pl.BlockSpec((1, D), lambda i: (0, 0)),
        ],
        out_specs=pl.BlockSpec((bn, D), lambda i: (i, 0)),
        out_shape=jax.ShapeDtypeStruct((n, D), jnp.bfloat16),
    )(x, W1, b1.reshape(1, D), W2, b2.reshape(1, D))


def _make_edge_dot():
    mesh = plsc.VectorSubcoreMesh(core_axis_name="c", subcore_axis_name="s")

    buf = lambda shape, dt: pltpu.VMEM(shape, dt)

    @functools.partial(
        pl.kernel,
        mesh=mesh,
        out_type=jax.ShapeDtypeStruct((N_EDGES,), jnp.float32),
        scratch_types=[
            buf((_C,), jnp.int32),
            buf((_C,), jnp.int32),
            buf((_C,), jnp.int32),
            buf((_C,), jnp.int32),
            buf((_C, D), jnp.int32),
            buf((_C, D), jnp.int32),
            buf((_C, D), jnp.int32),
            buf((_C, D), jnp.int32),
            buf((_C * 16 + 16,), jnp.float32),
            buf((_C * 4 + 16,), jnp.float32),
            buf((_C + 16,), jnp.float32),
            pltpu.SemaphoreType.DMA,
            pltpu.SemaphoreType.DMA,
        ],
    )
    def edge_dot(h_hbm, src_hbm, dst_hbm, out_hbm,
                 src_v0, src_v1, dst_v0, dst_v1, u_v0, u_v1, v_v0, v_v1,
                 pbuf, qbuf, obuf, sem_u, sem_v):
        wid = lax.axis_index("s") * _NC + lax.axis_index("c")
        ebase = wid * _EW
        src_v = (src_v0, src_v1)
        dst_v = (dst_v0, dst_v1)
        u_v = (u_v0, u_v1)
        v_v = (v_v0, v_v1)

        def fire(c, slot):
            base = ebase + c * _C
            pltpu.sync_copy(src_hbm.at[pl.ds(base, _C)], src_v[slot])
            pltpu.sync_copy(dst_hbm.at[pl.ds(base, _C)], dst_v[slot])
            pltpu.async_copy(h_hbm.at[src_v[slot]], u_v[slot], sem_u)
            pltpu.async_copy(h_hbm.at[dst_v[slot]], v_v[slot], sem_v)

        def wait(slot):
            pltpu.make_async_copy(
                h_hbm.at[src_v[slot]], u_v[slot], sem_u).wait()
            pltpu.make_async_copy(
                h_hbm.at[dst_v[slot]], v_v[slot], sem_v).wait()

        def compute(c, slot):
            uv = u_v[slot]
            vv = v_v[slot]

            mask = jnp.int32(-65536)

            @plsc.parallel_loop(0, _C, step=1, unroll=4)
            def _(e):
                plo = jnp.zeros((L,), jnp.float32)
                phi = jnp.zeros((L,), jnp.float32)
                for j in range(D // (2 * L)):
                    uw = uv[e, pl.ds(j * L, L)]
                    vw = vv[e, pl.ds(j * L, L)]
                    ul = lax.bitcast_convert_type(uw << 16, jnp.float32)
                    vl = lax.bitcast_convert_type(vw << 16, jnp.float32)
                    uh = lax.bitcast_convert_type(uw & mask, jnp.float32)
                    vh = lax.bitcast_convert_type(vw & mask, jnp.float32)
                    plo += ul * vl
                    phi += uh * vh
                pbuf[pl.ds(e * 16, L)] = plo + phi

            def fold1(e, _):
                s = (pbuf[pl.ds(e * 16, L)] + pbuf[pl.ds(e * 16 + 4, L)] +
                     pbuf[pl.ds(e * 16 + 8, L)] + pbuf[pl.ds(e * 16 + 12, L)])
                qbuf[pl.ds(e * 4, L)] = s
                return ()

            def fold2(e, _):
                s = (qbuf[pl.ds(e * 4, L)] + qbuf[pl.ds(e * 4 + 1, L)] +
                     qbuf[pl.ds(e * 4 + 2, L)] + qbuf[pl.ds(e * 4 + 3, L)])
                obuf[pl.ds(e, L)] = s
                return ()

            lax.fori_loop(0, _C, fold1, (), unroll=4)
            lax.fori_loop(0, _C, fold2, (), unroll=4)
            pltpu.sync_copy(obuf.at[pl.ds(0, _C)],
                            out_hbm.at[pl.ds(ebase + c * _C, _C)])

        fire(0, 0)

        def pair_body(k, _):
            c0 = k * 2
            fire(c0 + 1, 1)
            wait(0)
            compute(c0, 0)

            @pl.when(c0 + 2 < _NCHUNK)
            def _():
                fire(c0 + 2, 0)

            wait(1)
            compute(c0 + 1, 1)
            return ()

        lax.fori_loop(0, _NCHUNK // 2, pair_body, ())

    return edge_dot


_edge_dot = _make_edge_dot()


def kernel(x, edge_index, W1, b1, W2, b2):
    hb = _mlp(x, W1, b1, W2, b2)
    hw = lax.bitcast_convert_type(hb.reshape(N_NODES, D // 2, 2), jnp.int32)
    hw = jnp.concatenate([hw, jnp.zeros_like(hw)], axis=1)
    src = edge_index[0].astype(jnp.int32)
    dst = edge_index[1].astype(jnp.int32)
    score = _edge_dot(hw, src, dst)
    return score.reshape(N_EDGES, 1)

# --- scband reference (transcript-rebuilt; emitter-appended) ---
"""Pipeline reference for scband-hetero-dot-product-predictor-alt-32392643347024 (READ-ONLY COPY).

The authoritative reference and input builder live on the scoring server;
editing this copy changes nothing except your own understanding.
"""

import jax, jax.numpy as jnp
import numpy as np

N_NODES = 10000
N_EDGES = 320000
D = 128

def setup_inputs(seed: int = 0) -> dict:
    key = jax.random.key(seed)
    k_x, k_ei, k_w1, k_b1, k_w2, k_b2 = jax.random.split(key, 6)
    x = jax.random.normal(k_x, (N_NODES, D), dtype=jnp.float32)
    edge_index = jax.random.randint(k_ei, (2, N_EDGES), 0, N_NODES, dtype=jnp.int64)
    # MLP params for the selected etype's projector: Linear(D,D) -> ReLU -> Linear(D,D)
    lim = 1.0 / np.sqrt(D)
    W1 = jax.random.uniform(k_w1, (D, D), dtype=jnp.float32, minval=-lim, maxval=lim)
    b1 = jax.random.uniform(k_b1, (D,), dtype=jnp.float32, minval=-lim, maxval=lim)
    W2 = jax.random.uniform(k_w2, (D, D), dtype=jnp.float32, minval=-lim, maxval=lim)
    b2 = jax.random.uniform(k_b2, (D,), dtype=jnp.float32, minval=-lim, maxval=lim)
    return {"x": x, "edge_index": edge_index, "W1": W1, "b1": b1, "W2": W2, "b2": b2}

def reference(x, edge_index, W1, b1, W2, b2):
    # etype-specific MLP projection of node features
    h = jnp.maximum(x @ W1 + b1, 0.0) @ W2 + b2
    # apply_edges fn.u_dot_v('h','h','score'): per-edge dot product of src/dst node features
    src = edge_index[0]
    dst = edge_index[1]
    h_u = jnp.take(h, src, axis=0)
    h_v = jnp.take(h, dst, axis=0)
    score = jnp.sum(h_u * h_v, axis=-1, keepdims=True)  # [E, 1], matching DGL u_dot_v
    return score

if __name__ == "__main__":
    import jax
    _d = setup_inputs()
    print(jax.jit(kernel)(*tuple(_d.values())))

</pallas_src>

<mosaic_0001>
#map = affine_map<(d0, d1) -> (0, 0)>
#map1 = affine_map<(d0, d1) -> (0)>
module attributes {stable_mosaic.version = 14 : i64} {
  func.func @edge_dot(%arg0: i32, %arg1: i32, %arg2: memref<10000x128xi32, #tpu.memory_space<hbm>>, %arg3: memref<320000xi32, #tpu.memory_space<hbm>>, %arg4: memref<320000xi32, #tpu.memory_space<hbm>>, %arg5: memref<320000xf32, #tpu.memory_space<hbm>>, %arg6: memref<200xi32, #tpu.memory_space<vmem>>, %arg7: memref<200xi32, #tpu.memory_space<vmem>>, %arg8: memref<200xi32, #tpu.memory_space<vmem>>, %arg9: memref<200xi32, #tpu.memory_space<vmem>>, %arg10: memref<200x128xi32, #tpu.memory_space<vmem>>, %arg11: memref<200x128xi32, #tpu.memory_space<vmem>>, %arg12: memref<200x128xi32, #tpu.memory_space<vmem>>, %arg13: memref<200x128xi32, #tpu.memory_space<vmem>>, %arg14: memref<3216xf32, #tpu.memory_space<vmem>>, %arg15: memref<816xf32, #tpu.memory_space<vmem>>, %arg16: memref<216xf32, #tpu.memory_space<vmem>>, %arg17: memref<!tpu.dma_semaphore, #tpu.memory_space<semaphore_mem>>, %arg18: memref<!tpu.dma_semaphore, #tpu.memory_space<semaphore_mem>>) attributes {dimension_semantics = [#tpu.dimension_semantics<core_parallel>, #tpu.dimension_semantics<subcore_parallel>], iteration_bounds = array<i64: 2, 16>, scalar_prefetch = 0 : i64, scratch_operands = 13 : i64, tpu.core_type = #tpu.core_type<sc_vector_subcore>, window_params = [{transform_indices = #map}, {transform_indices = #map1}, {transform_indices = #map1}, {transform_indices = #map1}]} {
    %mul3A = arith.constant 2 : i32
    %mul3A_0 = arith.muli %arg1, %mul3A : i32
    %add3A = arith.addi %mul3A_0, %arg0 : i32
    %mul3A_1 = arith.constant 10000 : i32
    %mul3A_2 = arith.muli %add3A, %mul3A_1 : i32
    %add3A_3 = arith.constant 0 : i32
    %add3A_4 = arith.addi %mul3A_2, %add3A_3 : i32
    "tpu.region"() ({
      %run_scoped3A = tpu.sem_alloc : memref<!tpu.dma_semaphore, #tpu.memory_space<semaphore_mem>>
      %dma_start3A_14 = tpu.memref_slice %arg3[%add3A_4] : memref<320000xi32, #tpu.memory_space<hbm>> -> memref<200xi32, #tpu.memory_space<hbm>>
      %dma_start3A_15 = tpu.memref_slice %arg3[%add3A_4] : memref<320000xi32, #tpu.memory_space<hbm>> -> memref<200xi32, #tpu.memory_space<hbm>>
      tpu.enqueue_dma source(%dma_start3A_15 : memref<200xi32, #tpu.memory_space<hbm>>) target(%arg6 : memref<200xi32, #tpu.memory_space<vmem>>) target_semaphore(%run_scoped3A : memref<!tpu.dma_semaphore, #tpu.memory_space<semaphore_mem>>)
      %dma_wait3A = tpu.memref_slice %arg3[%add3A_4] : memref<320000xi32, #tpu.memory_space<hbm>> -> memref<200xi32, #tpu.memory_space<hbm>>
      %dma_wait3A_16 = tpu.memref_slice %arg3[%add3A_4] : memref<320000xi32, #tpu.memory_space<hbm>> -> memref<200xi32, #tpu.memory_space<hbm>>
      tpu.wait_dma2 semaphore(%run_scoped3A : memref<!tpu.dma_semaphore, #tpu.memory_space<semaphore_mem>>) src(%dma_wait3A_16 : memref<200xi32, #tpu.memory_space<hbm>>) dst(%arg6 : memref<200xi32, #tpu.memory_space<vmem>>)
      tpu.yield
    }) : () -> ()
    "tpu.region"() ({
      %run_scoped3A = tpu.sem_alloc : memref<!tpu.dma_semaphore, #tpu.memory_space<semaphore_mem>>
      %dma_start3A_14 = tpu.memref_slice %arg4[%add3A_4] : memref<320000xi32, #tpu.memory_space<hbm>> -> memref<200xi32, #tpu.memory_space<hbm>>
      %dma_start3A_15 = tpu.memref_slice %arg4[%add3A_4] : memref<320000xi32, #tpu.memory_space<hbm>> -> memref<200xi32, #tpu.memory_space<hbm>>
      tpu.enqueue_dma source(%dma_start3A_15 : memref<200xi32, #tpu.memory_space<hbm>>) target(%arg8 : memref<200xi32, #tpu.memory_space<vmem>>) target_semaphore(%run_scoped3A : memref<!tpu.dma_semaphore, #tpu.memory_space<semaphore_mem>>)
      %dma_wait3A = tpu.memref_slice %arg4[%add3A_4] : memref<320000xi32, #tpu.memory_space<hbm>> -> memref<200xi32, #tpu.memory_space<hbm>>
      %dma_wait3A_16 = tpu.memref_slice %arg4[%add3A_4] : memref<320000xi32, #tpu.memory_space<hbm>> -> memref<200xi32, #tpu.memory_space<hbm>>
      tpu.wait_dma2 semaphore(%run_scoped3A : memref<!tpu.dma_semaphore, #tpu.memory_space<semaphore_mem>>) src(%dma_wait3A_16 : memref<200xi32, #tpu.memory_space<hbm>>) dst(%arg8 : memref<200xi32, #tpu.memory_space<vmem>>)
      tpu.yield
    }) : () -> ()
    %dma_start3A = arith.constant 0 : i32
    %dma_start3A_5 = arith.constant 0 : i32
    %dma_start3A_6 = tpu.memref_slice %arg2[%dma_start3A, %dma_start3A_5] : memref<10000x128xi32, #tpu.memory_space<hbm>> -> memref<10000x128xi32, #tpu.memory_space<hbm>>
    tpu.enqueue_indirect_dma source(%dma_start3A_6 : memref<10000x128xi32, #tpu.memory_space<hbm>>) target(%arg10 : memref<200x128xi32, #tpu.memory_space<vmem>>) offsets(%arg6 : memref<200xi32, #tpu.memory_space<vmem>>) semaphore(%arg17 : memref<!tpu.dma_semaphore, #tpu.memory_space<semaphore_mem>>)
    %dma_start3A_7 = arith.constant 0 : i32
    %dma_start3A_8 = arith.constant 0 : i32
    %dma_start3A_9 = tpu.memref_slice %arg2[%dma_start3A_7, %dma_start3A_8] : memref<10000x128xi32, #tpu.memory_space<hbm>> -> memref<10000x128xi32, #tpu.memory_space<hbm>>
    tpu.enqueue_indirect_dma source(%dma_start3A_9 : memref<10000x128xi32, #tpu.memory_space<hbm>>) target(%arg12 : memref<200x128xi32, #tpu.memory_space<vmem>>) offsets(%arg8 : memref<200xi32, #tpu.memory_space<vmem>>) semaphore(%arg18 : memref<!tpu.dma_semaphore, #tpu.memory_space<semaphore_mem>>)
    %scan3A = arith.constant 0 : i32
    %scan3A_10 = arith.constant 25 : i32
    %scan3A_11 = arith.addi %scan3A, %scan3A_10 : i32
    %scan3A_12 = arith.constant 1 : i32
    scf.for %scan3A_14 = %scan3A to %scan3A_11 step %scan3A_12  : i32 {
      %mul3A_15 = arith.constant 2 : i32
      %mul3A_16 = arith.muli %scan3A_14, %mul3A_15 : i32
      %add3A_17 = arith.constant 1 : i32
      %add3A_18 = arith.addi %mul3A_16, %add3A_17 : i32
      %mul3A_19 = arith.constant 200 : i32
      %mul3A_20 = arith.muli %add3A_18, %mul3A_19 : i32
      %add3A_21 = arith.addi %mul3A_2, %mul3A_20 : i32
      "tpu.region"() ({
        %run_scoped3A = tpu.sem_alloc : memref<!tpu.dma_semaphore, #tpu.memory_space<semaphore_mem>>
        %dma_start3A_78 = tpu.memref_slice %arg3[%add3A_21] : memref<320000xi32, #tpu.memory_space<hbm>> -> memref<200xi32, #tpu.memory_space<hbm>>
        %dma_start3A_79 = tpu.memref_slice %arg3[%add3A_21] : memref<320000xi32, #tpu.memory_space<hbm>> -> memref<200xi32, #tpu.memory_space<hbm>>
        tpu.enqueue_dma source(%dma_start3A_79 : memref<200xi32, #tpu.memory_space<hbm>>) target(%arg7 : memref<200xi32, #tpu.memory_space<vmem>>) target_semaphore(%run_scoped3A : memref<!tpu.dma_semaphore, #tpu.memory_space<semaphore_mem>>)
        %dma_wait3A_80 = tpu.memref_slice %arg3[%add3A_21] : memref<320000xi32, #tpu.memory_space<hbm>> -> memref<200xi32, #tpu.memory_space<hbm>>
        %dma_wait3A_81 = tpu.memref_slice %arg3[%add3A_21] : memref<320000xi32, #tpu.memory_space<hbm>> -> memref<200xi32, #tpu.memory_space<hbm>>
        tpu.wait_dma2 semaphore(%run_scoped3A : memref<!tpu.dma_semaphore, #tpu.memory_space<semaphore_mem>>) src(%dma_wait3A_81 : memref<200xi32, #tpu.memory_space<hbm>>) dst(%arg7 : memref<200xi32, #tpu.memory_space<vmem>>)
        tpu.yield
      }) : () -> ()
      "tpu.region"() ({
        %run_scoped3A = tpu.sem_alloc : memref<!tpu.dma_semaphore, #tpu.memory_space<semaphore_mem>>
        %dma_start3A_78 = tpu.memref_slice %arg4[%add3A_21] : memref<320000xi32, #tpu.memory_space<hbm>> -> memref<200xi32, #tpu.memory_space<hbm>>
        %dma_start3A_79 = tpu.memref_slice %arg4[%add3A_21] : memref<320000xi32, #tpu.memory_space<hbm>> -> memref<200xi32, #tpu.memory_space<hbm>>
        tpu.enqueue_dma source(%dma_start3A_79 : memref<200xi32, #tpu.memory_space<hbm>>) target(%arg9 : memref<200xi32, #tpu.memory_space<vmem>>) target_semaphore(%run_scoped3A : memref<!tpu.dma_semaphore, #tpu.memory_space<semaphore_mem>>)
        %dma_wait3A_80 = tpu.memref_slice %arg4[%add3A_21] : memref<320000xi32, #tpu.memory_space<hbm>> -> memref<200xi32, #tpu.memory_space<hbm>>
        %dma_wait3A_81 = tpu.memref_slice %arg4[%add3A_21] : memref<320000xi32, #tpu.memory_space<hbm>> -> memref<200xi32, #tpu.memory_space<hbm>>
        tpu.wait_dma2 semaphore(%run_scoped3A : memref<!tpu.dma_semaphore, #tpu.memory_space<semaphore_mem>>) src(%dma_wait3A_81 : memref<200xi32, #tpu.memory_space<hbm>>) dst(%arg9 : memref<200xi32, #tpu.memory_space<vmem>>)
        tpu.yield
      }) : () -> ()
      %dma_start3A_22 = arith.constant 0 : i32
      %dma_start3A_23 = arith.constant 0 : i32
      %dma_start3A_24 = tpu.memref_slice %arg2[%dma_start3A_22, %dma_start3A_23] : memref<10000x128xi32, #tpu.memory_space<hbm>> -> memref<10000x128xi32, #tpu.memory_space<hbm>>
      tpu.enqueue_indirect_dma source(%dma_start3A_24 : memref<10000x128xi32, #tpu.memory_space<hbm>>) target(%arg11 : memref<200x128xi32, #tpu.memory_space<vmem>>) offsets(%arg7 : memref<200xi32, #tpu.memory_space<vmem>>) semaphore(%arg17 : memref<!tpu.dma_semaphore, #tpu.memory_space<semaphore_mem>>)
      %dma_start3A_25 = arith.constant 0 : i32
      %dma_start3A_26 = arith.constant 0 : i32
      %dma_start3A_27 = tpu.memref_slice %arg2[%dma_start3A_25, %dma_start3A_26] : memref<10000x128xi32, #tpu.memory_space<hbm>> -> memref<10000x128xi32, #tpu.memory_space<hbm>>
      tpu.enqueue_indirect_dma source(%dma_start3A_27 : memref<10000x128xi32, #tpu.memory_space<hbm>>) target(%arg13 : memref<200x128xi32, #tpu.memory_space<vmem>>) offsets(%arg9 : memref<200xi32, #tpu.memory_space<vmem>>) semaphore(%arg18 : memref<!tpu.dma_semaphore, #tpu.memory_space<semaphore_mem>>)
      %dma_wait3A = arith.constant 0 : i32
      %dma_wait3A_28 = arith.constant 0 : i32
      %dma_wait3A_29 = tpu.memref_slice %arg2[%dma_wait3A, %dma_wait3A_28] : memref<10000x128xi32, #tpu.memory_space<hbm>> -> memref<10000x128xi32, #tpu.memory_space<hbm>>
      tpu.wait_indirect_dma semaphore(%arg17 : memref<!tpu.dma_semaphore, #tpu.memory_space<semaphore_mem>>) src(%dma_wait3A_29 : memref<10000x128xi32, #tpu.memory_space<hbm>>) dst(%arg10 : memref<200x128xi32, #tpu.memory_space<vmem>>)
      %dma_wait3A_30 = arith.constant 0 : i32
      %dma_wait3A_31 = arith.constant 0 : i32
      %dma_wait3A_32 = tpu.memref_slice %arg2[%dma_wait3A_30, %dma_wait3A_31] : memref<10000x128xi32, #tpu.memory_space<hbm>> -> memref<10000x128xi32, #tpu.memory_space<hbm>>
      tpu.wait_indirect_dma semaphore(%arg18 : memref<!tpu.dma_semaphore, #tpu.memory_space<semaphore_mem>>) src(%dma_wait3A_32 : memref<10000x128xi32, #tpu.memory_space<hbm>>) dst(%arg12 : memref<200x128xi32, #tpu.memory_space<vmem>>)
      %parallel_loop3A = arith.constant 0 : i32
      %parallel_loop3A_33 = arith.constant 200 : i32
      %parallel_loop3A_34 = arith.constant 1 : i32
      %parallel_loop3A_35 = arith.constant -65536 : i32
      scf.for %parallel_loop3A_78 = %parallel_loop3A to %parallel_loop3A_33 step %parallel_loop3A_34  : i32 {
        %parallel_loop3A_79 = arith.constant 0.000000e+00 : f32
        %parallel_loop3A_80 = vector.broadcast %parallel_loop3A_79 : f32 to vector<16xf32>
        %parallel_loop3A_81 = arith.constant 0.000000e+00 : f32
        %parallel_loop3A_82 = vector.broadcast %parallel_loop3A_81 : f32 to vector<16xf32>
        %parallel_loop3A_83 = arith.index_cast %parallel_loop3A_78 : i32 to index
        %parallel_loop3A_84 = arith.constant 0 : index
        %parallel_loop3A_85 = tpu.vector_load %arg10[%parallel_loop3A_83, %parallel_loop3A_84] {strides = array<i32>} : memref<200x128xi32, #tpu.memory_space<vmem>>, vector<1x16xi32>,
        %parallel_loop3A_86 = vector.shape_cast %parallel_loop3A_85 : vector<1x16xi32> to vector<16xi32>
        %parallel_loop3A_87 = arith.index_cast %parallel_loop3A_78 : i32 to index
        %parallel_loop3A_88 = arith.constant 0 : index
        %parallel_loop3A_89 = tpu.vector_load %arg12[%parallel_loop3A_87, %parallel_loop3A_88] {strides = array<i32>} : memref<200x128xi32, #tpu.memory_space<vmem>>, vector<1x16xi32>,
        %parallel_loop3A_90 = vector.shape_cast %parallel_loop3A_89 : vector<1x16xi32> to vector<16xi32>
        %parallel_loop3A_91 = arith.constant 16 : i32
        %parallel_loop3A_92 = vector.broadcast %parallel_loop3A_91 : i32 to vector<16xi32>
        %parallel_loop3A_93 = arith.shli %parallel_loop3A_86, %parallel_loop3A_92 : vector<16xi32>
        %parallel_loop3A_94 = tpu.bitcast %parallel_loop3A_93 : vector<16xi32> -> vector<16xf32>
        %parallel_loop3A_95 = arith.constant 16 : i32
        %parallel_loop3A_96 = vector.broadcast %parallel_loop3A_95 : i32 to vector<16xi32>
        %parallel_loop3A_97 = arith.shli %parallel_loop3A_90, %parallel_loop3A_96 : vector<16xi32>
        %parallel_loop3A_98 = tpu.bitcast %parallel_loop3A_97 : vector<16xi32> -> vector<16xf32>
        %parallel_loop3A_99 = vector.broadcast %parallel_loop3A_35 : i32 to vector<16xi32>
        %parallel_loop3A_100 = arith.andi %parallel_loop3A_86, %parallel_loop3A_99 : vector<16xi32>
        %parallel_loop3A_101 = tpu.bitcast %parallel_loop3A_100 : vector<16xi32> -> vector<16xf32>
        %parallel_loop3A_102 = vector.broadcast %parallel_loop3A_35 : i32 to vector<16xi32>
        %parallel_loop3A_103 = arith.andi %parallel_loop3A_90, %parallel_loop3A_102 : vector<16xi32>
        %parallel_loop3A_104 = tpu.bitcast %parallel_loop3A_103 : vector<16xi32> -> vector<16xf32>
        %parallel_loop3A_105 = arith.mulf %parallel_loop3A_94, %parallel_loop3A_98 : vector<16xf32>
        %parallel_loop3A_106 = arith.addf %parallel_loop3A_80, %parallel_loop3A_105 : vector<16xf32>
        %parallel_loop3A_107 = arith.mulf %parallel_loop3A_101, %parallel_loop3A_104 : vector<16xf32>
        %parallel_loop3A_108 = arith.addf %parallel_loop3A_82, %parallel_loop3A_107 : vector<16xf32>
        %parallel_loop3A_109 = arith.index_cast %parallel_loop3A_78 : i32 to index
        %parallel_loop3A_110 = arith.constant 16 : index
        %parallel_loop3A_111 = tpu.vector_load %arg10[%parallel_loop3A_109, %parallel_loop3A_110] {strides = array<i32>} : memref<200x128xi32, #tpu.memory_space<vmem>>, vector<1x16xi32>,
        %parallel_loop3A_112 = vector.shape_cast %parallel_loop3A_111 : vector<1x16xi32> to vector<16xi32>
        %parallel_loop3A_113 = arith.index_cast %parallel_loop3A_78 : i32 to index
        %parallel_loop3A_114 = arith.constant 16 : index
        %parallel_loop3A_115 = tpu.vector_load %arg12[%parallel_loop3A_113, %parallel_loop3A_114] {strides = array<i32>} : memref<200x128xi32, #tpu.memory_space<vmem>>, vector<1x16xi32>,
        %parallel_loop3A_116 = vector.shape_cast %parallel_loop3A_115 : vector<1x16xi32> to vector<16xi32>
        %parallel_loop3A_117 = arith.constant 16 : i32
        %parallel_loop3A_118 = vector.broadcast %parallel_loop3A_117 : i32 to vector<16xi32>
        %parallel_loop3A_119 = arith.shli %parallel_loop3A_112, %parallel_loop3A_118 : vector<16xi32>
        %parallel_loop3A_120 = tpu.bitcast %parallel_loop3A_119 : vector<16xi32> -> vector<16xf32>
        %parallel_loop3A_121 = arith.constant 16 : i32
        %parallel_loop3A_122 = vector.broadcast %parallel_loop3A_121 : i32 to vector<16xi32>
        %parallel_loop3A_123 = arith.shli %parallel_loop3A_116, %parallel_loop3A_122 : vector<16xi32>
        %parallel_loop3A_124 = tpu.bitcast %parallel_loop3A_123 : vector<16xi32> -> vector<16xf32>
        %parallel_loop3A_125 = vector.broadcast %parallel_loop3A_35 : i32 to vector<16xi32>
        %parallel_loop3A_126 = arith.andi %parallel_loop3A_112, %parallel_loop3A_125 : vector<16xi32>
        %parallel_loop3A_127 = tpu.bitcast %parallel_loop3A_126 : vector<16xi32> -> vector<16xf32>
        %parallel_loop3A_128 = vector.broadcast %parallel_loop3A_35 : i32 to vector<16xi32>
        %parallel_loop3A_129 = arith.andi %parallel_loop3A_116, %parallel_loop3A_128 : vector<16xi32>
        %parallel_loop3A_130 = tpu.bitcast %parallel_loop3A_129 : vector<16xi32> -> vector<16xf32>
        %parallel_loop3A_131 = arith.mulf %parallel_loop3A_120, %parallel_loop3A_124 : vector<16xf32>
        %parallel_loop3A_132 = arith.addf %parallel_loop3A_106, %parallel_loop3A_131 : vector<16xf32>
        %parallel_loop3A_133 = arith.mulf %parallel_loop3A_127, %parallel_loop3A_130 : vector<16xf32>
        %parallel_loop3A_134 = arith.addf %parallel_loop3A_108, %parallel_loop3A_133 : vector<16xf32>
        %parallel_loop3A_135 = arith.index_cast %parallel_loop3A_78 : i32 to index
        %parallel_loop3A_136 = arith.constant 32 : index
        %parallel_loop3A_137 = tpu.vector_load %arg10[%parallel_loop3A_135, %parallel_loop3A_136] {strides = array<i32>} : memref<200x128xi32, #tpu.memory_space<vmem>>, vector<1x16xi32>,
        %parallel_loop3A_138 = vector.shape_cast %parallel_loop3A_137 : vector<1x16xi32> to vector<16xi32>
        %parallel_loop3A_139 = arith.index_cast %parallel_loop3A_78 : i32 to index
        %parallel_loop3A_140 = arith.constant 32 : index
        %parallel_loop3A_141 = tpu.vector_load %arg12[%parallel_loop3A_139, %parallel_loop3A_140] {strides = array<i32>} : memref<200x128xi32, #tpu.memory_space<vmem>>, vector<1x16xi32>,
        %parallel_loop3A_142 = vector.shape_cast %parallel_loop3A_141 : vector<1x16xi32> to vector<16xi32>
        %parallel_loop3A_143 = arith.constant 16 : i32
        %parallel_loop3A_144 = vector.broadcast %parallel_loop3A_143 : i32 to vector<16xi32>
        %parallel_loop3A_145 = arith.shli %parallel_loop3A_138, %parallel_loop3A_144 : vector<16xi32>
        %parallel_loop3A_146 = tpu.bitcast %parallel_loop3A_145 : vector<16xi32> -> vector<16xf32>
        %parallel_loop3A_147 = arith.constant 16 : i32
        %parallel_loop3A_148 = vector.broadcast %parallel_loop3A_147 : i32 to vector<16xi32>
        %parallel_loop3A_149 = arith.shli %parallel_loop3A_142, %parallel_loop3A_148 : vector<16xi32>
        %parallel_loop3A_150 = tpu.bitcast %parallel_loop3A_149 : vector<16xi32> -> vector<16xf32>
        %parallel_loop3A_151 = vector.broadcast %parallel_loop3A_35 : i32 to vector<16xi32>
        %parallel_loop3A_152 = arith.andi %parallel_loop3A_138, %parallel_loop3A_151 : vector<16xi32>
        %parallel_loop3A_153 = tpu.bitcast %parallel_loop3A_152 : vector<16xi32> -> vector<16xf32>
        %parallel_loop3A_154 = vector.broadcast %parallel_loop3A_35 : i32 to vector<16xi32>
        %parallel_loop3A_155 = arith.andi %parallel_loop3A_142, %parallel_loop3A_154 : vector<16xi32>
        %parallel_loop3A_156 = tpu.bitcast %parallel_loop3A_155 : vector<16xi32> -> vector<16xf32>
        %parallel_loop3A_157 = arith.mulf %parallel_loop3A_146, %parallel_loop3A_150 : vector<16xf32>
        %parallel_loop3A_158 = arith.addf %parallel_loop3A_132, %parallel_loop3A_157 : vector<16xf32>
        %parallel_loop3A_159 = arith.mulf %parallel_loop3A_153, %parallel_loop3A_156 : vector<16xf32>
        %parallel_loop3A_160 = arith.addf %parallel_loop3A_134, %parallel_loop3A_159 : vector<16xf32>
        %parallel_loop3A_161 = arith.index_cast %parallel_loop3A_78 : i32 to index
        %parallel_loop3A_162 = arith.constant 48 : index
        %parallel_loop3A_163 = tpu.vector_load %arg10[%parallel_loop3A_161, %parallel_loop3A_162] {strides = array<i32>} : memref<200x128xi32, #tpu.memory_space<vmem>>, vector<1x16xi32>,
        %parallel_loop3A_164 = vector.shape_cast %parallel_loop3A_163 : vector<1x16xi32> to vector<16xi32>
        %parallel_loop3A_165 = arith.index_cast %parallel_loop3A_78 : i32 to index
        %parallel_loop3A_166 = arith.constant 48 : index
        %parallel_loop3A_167 = tpu.vector_load %arg12[%parallel_loop3A_165, %parallel_loop3A_166] {strides = array<i32>} : memref<200x128xi32, #tpu.memory_space<vmem>>, vector<1x16xi32>,
        %parallel_loop3A_168 = vector.shape_cast %parallel_loop3A_167 : vector<1x16xi32> to vector<16xi32>
        %parallel_loop3A_169 = arith.constant 16 : i32
        %parallel_loop3A_170 = vector.broadcast %parallel_loop3A_169 : i32 to vector<16xi32>
        %parallel_loop3A_171 = arith.shli %parallel_loop3A_164, %parallel_loop3A_170 : vector<16xi32>
        %parallel_loop3A_172 = tpu.bitcast %parallel_loop3A_171 : vector<16xi32> -> vector<16xf32>
        %parallel_loop3A_173 = arith.constant 16 : i32
        %parallel_loop3A_174 = vector.broadcast %parallel_loop3A_173 : i32 to vector<16xi32>
        %parallel_loop3A_175 = arith.shli %parallel_loop3A_168, %parallel_loop3A_174 : vector<16xi32>
        %parallel_loop3A_176 = tpu.bitcast %parallel_loop3A_175 : vector<16xi32> -> vector<16xf32>
        %parallel_loop3A_177 = vector.broadcast %parallel_loop3A_35 : i32 to vector<16xi32>
        %parallel_loop3A_178 = arith.andi %parallel_loop3A_164, %parallel_loop3A_177 : vector<16xi32>
        %parallel_loop3A_179 = tpu.bitcast %parallel_loop3A_178 : vector<16xi32> -> vector<16xf32>
        %parallel_loop3A_180 = vector.broadcast %parallel_loop3A_35 : i32 to vector<16xi32>
        %parallel_loop3A_181 = arith.andi %parallel_loop3A_168, %parallel_loop3A_180 : vector<16xi32>
        %parallel_loop3A_182 = tpu.bitcast %parallel_loop3A_181 : vector<16xi32> -> vector<16xf32>
        %parallel_loop3A_183 = arith.mulf %parallel_loop3A_172, %parallel_loop3A_176 : vector<16xf32>
        %parallel_loop3A_184 = arith.addf %parallel_loop3A_158, %parallel_loop3A_183 : vector<16xf32>
        %parallel_loop3A_185 = arith.mulf %parallel_loop3A_179, %parallel_loop3A_182 : vector<16xf32>
        %parallel_loop3A_186 = arith.addf %parallel_loop3A_160, %parallel_loop3A_185 : vector<16xf32>
        %parallel_loop3A_187 = arith.addf %parallel_loop3A_184, %parallel_loop3A_186 : vector<16xf32>
        %parallel_loop3A_188 = arith.constant 16 : i32
        %parallel_loop3A_189 = arith.muli %parallel_loop3A_78, %parallel_loop3A_188 : i32
        %parallel_loop3A_190 = arith.index_cast %parallel_loop3A_189 : i32 to index
        %parallel_loop3A_191 = tpu.vector_load %arg14[%parallel_loop3A_190] {strides = array<i32>} : memref<3216xf32, #tpu.memory_space<vmem>>, vector<16xf32>,
        %parallel_loop3A_192 = vector.shape_cast %parallel_loop3A_191 : vector<16xf32> to vector<16xf32>
        %parallel_loop3A_193 = vector.shape_cast %parallel_loop3A_187 : vector<16xf32> to vector<16xf32>
        tpu.vector_store %arg14[%parallel_loop3A_190], %parallel_loop3A_193 {strides = array<i32>} : memref<3216xf32, #tpu.memory_space<vmem>>, vector<16xf32>,
      } {sc.loop_unroll_factor = 4 : i64, sc.parallel_access}
      %scan3A_36 = arith.constant 0 : i32
      %scan3A_37 = arith.constant 200 : i32
      %scan3A_38 = arith.addi %scan3A_36, %scan3A_37 : i32
      %scan3A_39 = arith.constant 4 : i32
      scf.for %scan3A_78 = %scan3A_36 to %scan3A_38 step %scan3A_39  : i32 {
        %mul3A_79 = arith.constant 16 : i32
        %mul3A_80 = arith.muli %scan3A_78, %mul3A_79 : i32
        %get3A = arith.index_cast %mul3A_80 : i32 to index
        %get3A_81 = tpu.vector_load %arg14[%get3A] {strides = array<i32>} : memref<3216xf32, #tpu.memory_space<vmem>>, vector<16xf32>,
        %get3A_82 = vector.shape_cast %get3A_81 : vector<16xf32> to vector<16xf32>
        %mul3A_83 = arith.constant 16 : i32
        %mul3A_84 = arith.muli %scan3A_78, %mul3A_83 : i32
        %add3A_85 = arith.constant 4 : i32
        %add3A_86 = arith.addi %mul3A_84, %add3A_85 : i32
        %get3A_87 = arith.index_cast %add3A_86 : i32 to index
        %get3A_88 = tpu.vector_load %arg14[%get3A_87] {strides = array<i32>} : memref<3216xf32, #tpu.memory_space<vmem>>, vector<16xf32>,
        %get3A_89 = vector.shape_cast %get3A_88 : vector<16xf32> to vector<16xf32>
        %add3A_90 = arith.addf %get3A_82, %get3A_89 : vector<16xf32>
        %mul3A_91 = arith.constant 16 : i32
        %mul3A_92 = arith.muli %scan3A_78, %mul3A_91 : i32
        %add3A_93 = arith.constant 8 : i32
        %add3A_94 = arith.addi %mul3A_92, %add3A_93 : i32
        %get3A_95 = arith.index_cast %add3A_94 : i32 to index
        %get3A_96 = tpu.vector_load %arg14[%get3A_95] {strides = array<i32>} : memref<3216xf32, #tpu.memory_space<vmem>>, vector<16xf32>,
        %get3A_97 = vector.shape_cast %get3A_96 : vector<16xf32> to vector<16xf32>
        %add3A_98 = arith.addf %add3A_90, %get3A_97 : vector<16xf32>
        %mul3A_99 = arith.constant 16 : i32
        %mul3A_100 = arith.muli %scan3A_78, %mul3A_99 : i32
        %add3A_101 = arith.constant 12 : i32
        %add3A_102 = arith.addi %mul3A_100, %add3A_101 : i32
        %get3A_103 = arith.index_cast %add3A_102 : i32 to index
        %get3A_104 = tpu.vector_load %arg14[%get3A_103] {strides = array<i32>} : memref<3216xf32, #tpu.memory_space<vmem>>, vector<16xf32>,
        %get3A_105 = vector.shape_cast %get3A_104 : vector<16xf32> to vector<16xf32>
        %add3A_106 = arith.addf %add3A_98, %get3A_105 : vector<16xf32>
        %mul3A_107 = arith.constant 4 : i32
        %mul3A_108 = arith.muli %scan3A_78, %mul3A_107 : i32
        %swap3A = arith.index_cast %mul3A_108 : i32 to index
        %swap3A_109 = tpu.vector_load %arg15[%swap3A] {strides = array<i32>} : memref<816xf32, #tpu.memory_space<vmem>>, vector<16xf32>,
        %swap3A_110 = vector.shape_cast %swap3A_109 : vector<16xf32> to vector<16xf32>
        %swap3A_111 = vector.shape_cast %add3A_106 : vector<16xf32> to vector<16xf32>
        tpu.vector_store %arg15[%swap3A], %swap3A_111 {strides = array<i32>} : memref<816xf32, #tpu.memory_space<vmem>>, vector<16xf32>,
        %scan3A_112 = arith.constant 1 : i32
        %scan3A_113 = arith.addi %scan3A_78, %scan3A_112 : i32
        %mul3A_114 = arith.constant 16 : i32
        %mul3A_115 = arith.muli %scan3A_113, %mul3A_114 : i32
        %get3A_116 = arith.index_cast %mul3A_115 : i32 to index
        %get3A_117 = tpu.vector_load %arg14[%get3A_116] {strides = array<i32>} : memref<3216xf32, #tpu.memory_space<vmem>>, vector<16xf32>,
        %get3A_118 = vector.shape_cast %get3A_117 : vector<16xf32> to vector<16xf32>
        %mul3A_119 = arith.constant 16 : i32
        %mul3A_120 = arith.muli %scan3A_113, %mul3A_119 : i32
        %add3A_121 = arith.constant 4 : i32
        %add3A_122 = arith.addi %mul3A_120, %add3A_121 : i32
        %get3A_123 = arith.index_cast %add3A_122 : i32 to index
        %get3A_124 = tpu.vector_load %arg14[%get3A_123] {strides = array<i32>} : memref<3216xf32, #tpu.memory_space<vmem>>, vector<16xf32>,
        %get3A_125 = vector.shape_cast %get3A_124 : vector<16xf32> to vector<16xf32>
        %add3A_126 = arith.addf %get3A_118, %get3A_125 : vector<16xf32>
        %mul3A_127 = arith.constant 16 : i32
        %mul3A_128 = arith.muli %scan3A_113, %mul3A_127 : i32
        %add3A_129 = arith.constant 8 : i32
        %add3A_130 = arith.addi %mul3A_128, %add3A_129 : i32
        %get3A_131 = arith.index_cast %add3A_130 : i32 to index
        %get3A_132 = tpu.vector_load %arg14[%get3A_131] {strides = array<i32>} : memref<3216xf32, #tpu.memory_space<vmem>>, vector<16xf32>,
        %get3A_133 = vector.shape_cast %get3A_132 : vector<16xf32> to vector<16xf32>
        %add3A_134 = arith.addf %add3A_126, %get3A_133 : vector<16xf32>
        %mul3A_135 = arith.constant 16 : i32
        %mul3A_136 = arith.muli %scan3A_113, %mul3A_135 : i32
        %add3A_137 = arith.constant 12 : i32
        %add3A_138 = arith.addi %mul3A_136, %add3A_137 : i32
        %get3A_139 = arith.index_cast %add3A_138 : i32 to index
        %get3A_140 = tpu.vector_load %arg14[%get3A_139] {strides = array<i32>} : memref<3216xf32, #tpu.memory_space<vmem>>, vector<16xf32>,
        %get3A_141 = vector.shape_cast %get3A_140 : vector<16xf32> to vector<16xf32>
        %add3A_142 = arith.addf %add3A_134, %get3A_141 : vector<16xf32>
        %mul3A_143 = arith.constant 4 : i32
        %mul3A_144 = arith.muli %scan3A_113, %mul3A_143 : i32
        %swap3A_145 = arith.index_cast %mul3A_144 : i32 to index
        %swap3A_146 = tpu.vector_load %arg15[%swap3A_145] {strides = array<i32>} : memref<816xf32, #tpu.memory_space<vmem>>, vector<16xf32>,
        %swap3A_147 = vector.shape_cast %swap3A_146 : vector<16xf32> to vector<16xf32>
        %swap3A_148 = vector.shape_cast %add3A_142 : vector<16xf32> to vector<16xf32>
        tpu.vector_store %arg15[%swap3A_145], %swap3A_148 {strides = array<i32>} : memref<816xf32, #tpu.memory_space<vmem>>, vector<16xf32>,
        %scan3A_149 = arith.constant 2 : i32
        %scan3A_150 = arith.addi %scan3A_78, %scan3A_149 : i32
        %mul3A_151 = arith.constant 16 : i32
        %mul3A_152 = arith.muli %scan3A_150, %mul3A_151 : i32
        %get3A_153 = arith.index_cast %mul3A_152 : i32 to index
        %get3A_154 = tpu.vector_load %arg14[%get3A_153] {strides = array<i32>} : memref<3216xf32, #tpu.memory_space<vmem>>, vector<16xf32>,
        %get3A_155 = vector.shape_cast %get3A_154 : vector<16xf32> to vector<16xf32>
        %mul3A_156 = arith.constant 16 : i32
        %mul3A_157 = arith.muli %scan3A_150, %mul3A_156 : i32
        %add3A_158 = arith.constant 4 : i32
        %add3A_159 = arith.addi %mul3A_157, %add3A_158 : i32
        %get3A_160 = arith.index_cast %add3A_159 : i32 to index
        %get3A_161 = tpu.vector_load %arg14[%get3A_160] {strides = array<i32>} : memref<3216xf32, #tpu.memory_space<vmem>>, vector<16xf32>,
        %get3A_162 = vector.shape_cast %get3A_161 : vector<16xf32> to vector<16xf32>
        %add3A_163 = arith.addf %get3A_155, %get3A_162 : vector<16xf32>
        %mul3A_164 = arith.constant 16 : i32
        %mul3A_165 = arith.muli %scan3A_150, %mul3A_164 : i32
        %add3A_166 = arith.constant 8 : i32
        %add3A_167 = arith.addi %mul3A_165, %add3A_166 : i32
        %get3A_168 = arith.index_cast %add3A_167 : i32 to index
        %get3A_169 = tpu.vector_load %arg14[%get3A_168] {strides = array<i32>} : memref<3216xf32, #tpu.memory_space<vmem>>, vector<16xf32>,
        %get3A_170 = vector.shape_cast %get3A_169 : vector<16xf32> to vector<16xf32>
        %add3A_171 = arith.addf %add3A_163, %get3A_170 : vector<16xf32>
        %mul3A_172 = arith.constant 16 : i32
        %mul3A_173 = arith.muli %scan3A_150, %mul3A_172 : i32
        %add3A_174 = arith.constant 12 : i32
        %add3A_175 = arith.addi %mul3A_173, %add3A_174 : i32
        %get3A_176 = arith.index_cast %add3A_175 : i32 to index
        %get3A_177 = tpu.vector_load %arg14[%get3A_176] {strides = array<i32>} : memref<3216xf32, #tpu.memory_space<vmem>>, vector<16xf32>,
        %get3A_178 = vector.shape_cast %get3A_177 : vector<16xf32> to vector<16xf32>
        %add3A_179 = arith.addf %add3A_171, %get3A_178 : vector<16xf32>
        %mul3A_180 = arith.constant 4 : i32
        %mul3A_181 = arith.muli %scan3A_150, %mul3A_180 : i32
        %swap3A_182 = arith.index_cast %mul3A_181 : i32 to index
        %swap3A_183 = tpu.vector_load %arg15[%swap3A_182] {strides = array<i32>} : memref<816xf32, #tpu.memory_space<vmem>>, vector<16xf32>,
        %swap3A_184 = vector.shape_cast %swap3A_183 : vector<16xf32> to vector<16xf32>
        %swap3A_185 = vector.shape_cast %add3A_179 : vector<16xf32> to vector<16xf32>
        tpu.vector_store %arg15[%swap3A_182], %swap3A_185 {strides = array<i32>} : memref<816xf32, #tpu.memory_space<vmem>>, vector<16xf32>,
        %scan3A_186 = arith.constant 3 : i32
        %scan3A_187 = arith.addi %scan3A_78, %scan3A_186 : i32
        %mul3A_188 = arith.constant 16 : i32
        %mul3A_189 = arith.muli %scan3A_187, %mul3A_188 : i32
        %get3A_190 = arith.index_cast %mul3A_189 : i32 to index
        %get3A_191 = tpu.vector_load %arg14[%get3A_190] {strides = array<i32>} : memref<3216xf32, #tpu.memory_space<vmem>>, vector<16xf32>,
        %get3A_192 = vector.shape_cast %get3A_191 : vector<16xf32> to vector<16xf32>
        %mul3A_193 = arith.constant 16 : i32
        %mul3A_194 = arith.muli %scan3A_187, %mul3A_193 : i32
        %add3A_195 = arith.constant 4 : i32
        %add3A_196 = arith.addi %mul3A_194, %add3A_195 : i32
        %get3A_197 = arith.index_cast %add3A_196 : i32 to index
        %get3A_198 = tpu.vector_load %arg14[%get3A_197] {strides = array<i32>} : memref<3216xf32, #tpu.memory_space<vmem>>, vector<16xf32>,
        %get3A_199 = vector.shape_cast %get3A_198 : vector<16xf32> to vector<16xf32>
        %add3A_200 = arith.addf %get3A_192, %get3A_199 : vector<16xf32>
        %mul3A_201 = arith.constant 16 : i32
        %mul3A_202 = arith.muli %scan3A_187, %mul3A_201 : i32
        %add3A_203 = arith.constant 8 : i32
        %add3A_204 = arith.addi %mul3A_202, %add3A_203 : i32
        %get3A_205 = arith.index_cast %add3A_204 : i32 to index
        %get3A_206 = tpu.vector_load %arg14[%get3A_205] {strides = array<i32>} : memref<3216xf32, #tpu.memory_space<vmem>>, vector<16xf32>,
        %get3A_207 = vector.shape_cast %get3A_206 : vector<16xf32> to vector<16xf32>
        %add3A_208 = arith.addf %add3A_200, %get3A_207 : vector<16xf32>
        %mul3A_209 = arith.constant 16 : i32
        %mul3A_210 = arith.muli %scan3A_187, %mul3A_209 : i32
        %add3A_211 = arith.constant 12 : i32
        %add3A_212 = arith.addi %mul3A_210, %add3A_211 : i32
        %get3A_213 = arith.index_cast %add3A_212 : i32 to index
        %get3A_214 = tpu.vector_load %arg14[%get3A_213] {strides = array<i32>} : memref<3216xf32, #tpu.memory_space<vmem>>, vector<16xf32>,
        %get3A_215 = vector.shape_cast %get3A_214 : vector<16xf32> to vector<16xf32>
        %add3A_216 = arith.addf %add3A_208, %get3A_215 : vector<16xf32>
        %mul3A_217 = arith.constant 4 : i32
        %mul3A_218 = arith.muli %scan3A_187, %mul3A_217 : i32
        %swap3A_219 = arith.index_cast %mul3A_218 : i32 to index
        %swap3A_220 = tpu.vector_load %arg15[%swap3A_219] {strides = array<i32>} : memref<816xf32, #tpu.memory_space<vmem>>, vector<16xf32>,
        %swap3A_221 = vector.shape_cast %swap3A_220 : vector<16xf32> to vector<16xf32>
        %swap3A_222 = vector.shape_cast %add3A_216 : vector<16xf32> to vector<16xf32>
        tpu.vector_store %arg15[%swap3A_219], %swap3A_222 {strides = array<i32>} : memref<816xf32, #tpu.memory_space<vmem>>, vector<16xf32>,
      }
      %scan3A_40 = arith.constant 200 : i32
      %scan3A_41 = arith.constant 0 : i32
      %scan3A_42 = arith.constant 200 : i32
      %scan3A_43 = arith.addi %scan3A_41, %scan3A_42 : i32
      %scan3A_44 = arith.constant 4 : i32
      scf.for %scan3A_78 = %scan3A_41 to %scan3A_43 step %scan3A_44  : i32 {
        %mul3A_79 = arith.constant 4 : i32
        %mul3A_80 = arith.muli %scan3A_78, %mul3A_79 : i32
        %get3A = arith.index_cast %mul3A_80 : i32 to index
        %get3A_81 = tpu.vector_load %arg15[%get3A] {strides = array<i32>} : memref<816xf32, #tpu.memory_space<vmem>>, vector<16xf32>,
        %get3A_82 = vector.shape_cast %get3A_81 : vector<16xf32> to vector<16xf32>
        %mul3A_83 = arith.constant 4 : i32
        %mul3A_84 = arith.muli %scan3A_78, %mul3A_83 : i32
        %add3A_85 = arith.constant 1 : i32
        %add3A_86 = arith.addi %mul3A_84, %add3A_85 : i32
        %get3A_87 = arith.index_cast %add3A_86 : i32 to index
        %get3A_88 = tpu.vector_load %arg15[%get3A_87] {strides = array<i32>} : memref<816xf32, #tpu.memory_space<vmem>>, vector<16xf32>,
        %get3A_89 = vector.shape_cast %get3A_88 : vector<16xf32> to vector<16xf32>
        %add3A_90 = arith.addf %get3A_82, %get3A_89 : vector<16xf32>
        %mul3A_91 = arith.constant 4 : i32
        %mul3A_92 = arith.muli %scan3A_78, %mul3A_91 : i32
        %add3A_93 = arith.constant 2 : i32
        %add3A_94 = arith.addi %mul3A_92, %add3A_93 : i32
        %get3A_95 = arith.index_cast %add3A_94 : i32 to index
        %get3A_96 = tpu.vector_load %arg15[%get3A_95] {strides = array<i32>} : memref<816xf32, #tpu.memory_space<vmem>>, vector<16xf32>,
        %get3A_97 = vector.shape_cast %get3A_96 : vector<16xf32> to vector<16xf32>
        %add3A_98 = arith.addf %add3A_90, %get3A_97 : vector<16xf32>
        %mul3A_99 = arith.constant 4 : i32
        %mul3A_100 = arith.muli %scan3A_78, %mul3A_99 : i32
        %add3A_101 = arith.constant 3 : i32
        %add3A_102 = arith.addi %mul3A_100, %add3A_101 : i32
        %get3A_103 = arith.index_cast %add3A_102 : i32 to index
        %get3A_104 = tpu.vector_load %arg15[%get3A_103] {strides = array<i32>} : memref<816xf32, #tpu.memory_space<vmem>>, vector<16xf32>,
        %get3A_105 = vector.shape_cast %get3A_104 : vector<16xf32> to vector<16xf32>
        %add3A_106 = arith.addf %add3A_98, %get3A_105 : vector<16xf32>
        %swap3A = arith.index_cast %scan3A_78 : i32 to index
        %swap3A_107 = tpu.vector_load %arg16[%swap3A] {strides = array<i32>} : memref<216xf32, #tpu.memory_space<vmem>>, vector<16xf32>,
        %swap3A_108 = vector.shape_cast %swap3A_107 : vector<16xf32> to vector<16xf32>
        %swap3A_109 = vector.shape_cast %add3A_106 : vector<16xf32> to vector<16xf32>
        tpu.vector_store %arg16[%swap3A], %swap3A_109 {strides = array<i32>} : memref<216xf32, #tpu.memory_space<vmem>>, vector<16xf32>,
        %scan3A_110 = arith.constant 1 : i32
        %scan3A_111 = arith.addi %scan3A_78, %scan3A_110 : i32
        %mul3A_112 = arith.constant 4 : i32
        %mul3A_113 = arith.muli %scan3A_111, %mul3A_112 : i32
        %get3A_114 = arith.index_cast %mul3A_113 : i32 to index
        %get3A_115 = tpu.vector_load %arg15[%get3A_114] {strides = array<i32>} : memref<816xf32, #tpu.memory_space<vmem>>, vector<16xf32>,
        %get3A_116 = vector.shape_cast %get3A_115 : vector<16xf32> to vector<16xf32>
        %mul3A_117 = arith.constant 4 : i32
        %mul3A_118 = arith.muli %scan3A_111, %mul3A_117 : i32
        %add3A_119 = arith.constant 1 : i32
        %add3A_120 = arith.addi %mul3A_118, %add3A_119 : i32
        %get3A_121 = arith.index_cast %add3A_120 : i32 to index
        %get3A_122 = tpu.vector_load %arg15[%get3A_121] {strides = array<i32>} : memref<816xf32, #tpu.memory_space<vmem>>, vector<16xf32>,
        %get3A_123 = vector.shape_cast %get3A_122 : vector<16xf32> to vector<16xf32>
        %add3A_124 = arith.addf %get3A_116, %get3A_123 : vector<16xf32>
        %mul3A_125 = arith.constant 4 : i32
        %mul3A_126 = arith.muli %scan3A_111, %mul3A_125 : i32
        %add3A_127 = arith.constant 2 : i32
        %add3A_128 = arith.addi %mul3A_126, %add3A_127 : i32
        %get3A_129 = arith.index_cast %add3A_128 : i32 to index
        %get3A_130 = tpu.vector_load %arg15[%get3A_129] {strides = array<i32>} : memref<816xf32, #tpu.memory_space<vmem>>, vector<16xf32>,
        %get3A_131 = vector.shape_cast %get3A_130 : vector<16xf32> to vector<16xf32>
        %add3A_132 = arith.addf %add3A_124, %get3A_131 : vector<16xf32>
        %mul3A_133 = arith.constant 4 : i32
        %mul3A_134 = arith.muli %scan3A_111, %mul3A_133 : i32
        %add3A_135 = arith.constant 3 : i32
        %add3A_136 = arith.addi %mul3A_134, %add3A_135 : i32
        %get3A_137 = arith.index_cast %add3A_136 : i32 to index
        %get3A_138 = tpu.vector_load %arg15[%get3A_137] {strides = array<i32>} : memref<816xf32, #tpu.memory_space<vmem>>, vector<16xf32>,
        %get3A_139 = vector.shape_cast %get3A_138 : vector<16xf32> to vector<16xf32>
        %add3A_140 = arith.addf %add3A_132, %get3A_139 : vector<16xf32>
        %swap3A_141 = arith.index_cast %scan3A_111 : i32 to index
        %swap3A_142 = tpu.vector_load %arg16[%swap3A_141] {strides = array<i32>} : memref<216xf32, #tpu.memory_space<vmem>>, vector<16xf32>,
        %swap3A_143 = vector.shape_cast %swap3A_142 : vector<16xf32> to vector<16xf32>
        %swap3A_144 = vector.shape_cast %add3A_140 : vector<16xf32> to vector<16xf32>
        tpu.vector_store %arg16[%swap3A_141], %swap3A_144 {strides = array<i32>} : memref<216xf32, #tpu.memory_space<vmem>>, vector<16xf32>,
        %scan3A_145 = arith.constant 2 : i32
        %scan3A_146 = arith.addi %scan3A_78, %scan3A_145 : i32
        %mul3A_147 = arith.constant 4 : i32
        %mul3A_148 = arith.muli %scan3A_146, %mul3A_147 : i32
        %get3A_149 = arith.index_cast %mul3A_148 : i32 to index
        %get3A_150 = tpu.vector_load %arg15[%get3A_149] {strides = array<i32>} : memref<816xf32, #tpu.memory_space<vmem>>, vector<16xf32>,
        %get3A_151 = vector.shape_cast %get3A_150 : vector<16xf32> to vector<16xf32>
        %mul3A_152 = arith.constant 4 : i32
        %mul3A_153 = arith.muli %scan3A_146, %mul3A_152 : i32
        %add3A_154 = arith.constant 1 : i32
        %add3A_155 = arith.addi %mul3A_153, %add3A_154 : i32
        %get3A_156 = arith.index_cast %add3A_155 : i32 to index
        %get3A_157 = tpu.vector_load %arg15[%get3A_156] {strides = array<i32>} : memref<816xf32, #tpu.memory_space<vmem>>, vector<16xf32>,
        %get3A_158 = vector.shape_cast %get3A_157 : vector<16xf32> to vector<16xf32>
        %add3A_159 = arith.addf %get3A_151, %get3A_158 : vector<16xf32>
        %mul3A_160 = arith.constant 4 : i32
        %mul3A_161 = arith.muli %scan3A_146, %mul3A_160 : i32
        %add3A_162 = arith.constant 2 : i32
        %add3A_163 = arith.addi %mul3A_161, %add3A_162 : i32
        %get3A_164 = arith.index_cast %add3A_163 : i32 to index
        %get3A_165 = tpu.vector_load %arg15[%get3A_164] {strides = array<i32>} : memref<816xf32, #tpu.memory_space<vmem>>, vector<16xf32>,
        %get3A_166 = vector.shape_cast %get3A_165 : vector<16xf32> to vector<16xf32>
        %add3A_167 = arith.addf %add3A_159, %get3A_166 : vector<16xf32>
        %mul3A_168 = arith.constant 4 : i32
        %mul3A_169 = arith.muli %scan3A_146, %mul3A_168 : i32
        %add3A_170 = arith.constant 3 : i32
        %add3A_171 = arith.addi %mul3A_169, %add3A_170 : i32
        %get3A_172 = arith.index_cast %add3A_171 : i32 to index
        %get3A_173 = tpu.vector_load %arg15[%get3A_172] {strides = array<i32>} : memref<816xf32, #tpu.memory_space<vmem>>, vector<16xf32>,
        %get3A_174 = vector.shape_cast %get3A_173 : vector<16xf32> to vector<16xf32>
        %add3A_175 = arith.addf %add3A_167, %get3A_174 : vector<16xf32>
        %swap3A_176 = arith.index_cast %scan3A_146 : i32 to index
        %swap3A_177 = tpu.vector_load %arg16[%swap3A_176] {strides = array<i32>} : memref<216xf32, #tpu.memory_space<vmem>>, vector<16xf32>,
        %swap3A_178 = vector.shape_cast %swap3A_177 : vector<16xf32> to vector<16xf32>
        %swap3A_179 = vector.shape_cast %add3A_175 : vector<16xf32> to vector<16xf32>
        tpu.vector_store %arg16[%swap3A_176], %swap3A_179 {strides = array<i32>} : memref<216xf32, #tpu.memory_space<vmem>>, vector<16xf32>,
        %scan3A_180 = arith.constant 3 : i32
        %scan3A_181 = arith.addi %scan3A_78, %scan3A_180 : i32
        %mul3A_182 = arith.constant 4 : i32
        %mul3A_183 = arith.muli %scan3A_181, %mul3A_182 : i32
        %get3A_184 = arith.index_cast %mul3A_183 : i32 to index
        %get3A_185 = tpu.vector_load %arg15[%get3A_184] {strides = array<i32>} : memref<816xf32, #tpu.memory_space<vmem>>, vector<16xf32>,
        %get3A_186 = vector.shape_cast %get3A_185 : vector<16xf32> to vector<16xf32>
        %mul3A_187 = arith.constant 4 : i32
        %mul3A_188 = arith.muli %scan3A_181, %mul3A_187 : i32
        %add3A_189 = arith.constant 1 : i32
        %add3A_190 = arith.addi %mul3A_188, %add3A_189 : i32
        %get3A_191 = arith.index_cast %add3A_190 : i32 to index
        %get3A_192 = tpu.vector_load %arg15[%get3A_191] {strides = array<i32>} : memref<816xf32, #tpu.memory_space<vmem>>, vector<16xf32>,
        %get3A_193 = vector.shape_cast %get3A_192 : vector<16xf32> to vector<16xf32>
        %add3A_194 = arith.addf %get3A_186, %get3A_193 : vector<16xf32>
        %mul3A_195 = arith.constant 4 : i32
        %mul3A_196 = arith.muli %scan3A_181, %mul3A_195 : i32
        %add3A_197 = arith.constant 2 : i32
        %add3A_198 = arith.addi %mul3A_196, %add3A_197 : i32
        %get3A_199 = arith.index_cast %add3A_198 : i32 to index
        %get3A_200 = tpu.vector_load %arg15[%get3A_199] {strides = array<i32>} : memref<816xf32, #tpu.memory_space<vmem>>, vector<16xf32>,
        %get3A_201 = vector.shape_cast %get3A_200 : vector<16xf32> to vector<16xf32>
        %add3A_202 = arith.addf %add3A_194, %get3A_201 : vector<16xf32>
        %mul3A_203 = arith.constant 4 : i32
        %mul3A_204 = arith.muli %scan3A_181, %mul3A_203 : i32
        %add3A_205 = arith.constant 3 : i32
        %add3A_206 = arith.addi %mul3A_204, %add3A_205 : i32
        %get3A_207 = arith.index_cast %add3A_206 : i32 to index
        %get3A_208 = tpu.vector_load %arg15[%get3A_207] {strides = array<i32>} : memref<816xf32, #tpu.memory_space<vmem>>, vector<16xf32>,
        %get3A_209 = vector.shape_cast %get3A_208 : vector<16xf32> to vector<16xf32>
        %add3A_210 = arith.addf %add3A_202, %get3A_209 : vector<16xf32>
        %swap3A_211 = arith.index_cast %scan3A_181 : i32 to index
        %swap3A_212 = tpu.vector_load %arg16[%swap3A_211] {strides = array<i32>} : memref<216xf32, #tpu.memory_space<vmem>>, vector<16xf32>,
        %swap3A_213 = vector.shape_cast %swap3A_212 : vector<16xf32> to vector<16xf32>
        %swap3A_214 = vector.shape_cast %add3A_210 : vector<16xf32> to vector<16xf32>
        tpu.vector_store %arg16[%swap3A_211], %swap3A_214 {strides = array<i32>} : memref<216xf32, #tpu.memory_space<vmem>>, vector<16xf32>,
      }
      %scan3A_45 = arith.constant 200 : i32
      %mul3A_46 = arith.constant 200 : i32
      %mul3A_47 = arith.muli %mul3A_16, %mul3A_46 : i32
      %add3A_48 = arith.addi %mul3A_2, %mul3A_47 : i32
      "tpu.region"() ({
        %run_scoped3A = tpu.sem_alloc : memref<!tpu.dma_semaphore, #tpu.memory_space<semaphore_mem>>
        %dma_start3A_78 = arith.constant 0 : i32
        %dma_start3A_79 = tpu.memref_slice %arg16[%dma_start3A_78] : memref<216xf32, #tpu.memory_space<vmem>> -> memref<200xf32, #tpu.memory_space<vmem>>
        %dma_start3A_80 = tpu.memref_slice %arg5[%add3A_48] : memref<320000xf32, #tpu.memory_space<hbm>> -> memref<200xf32, #tpu.memory_space<hbm>>
        %dma_start3A_81 = tpu.memref_slice %arg5[%add3A_48] : memref<320000xf32, #tpu.memory_space<hbm>> -> memref<200xf32, #tpu.memory_space<hbm>>
        %dma_start3A_82 = arith.constant 0 : i32
        %dma_start3A_83 = tpu.memref_slice %arg16[%dma_start3A_82] : memref<216xf32, #tpu.memory_space<vmem>> -> memref<200xf32, #tpu.memory_space<vmem>>
        tpu.enqueue_dma source(%dma_start3A_83 : memref<200xf32, #tpu.memory_space<vmem>>) target(%dma_start3A_81 : memref<200xf32, #tpu.memory_space<hbm>>) target_semaphore(%run_scoped3A : memref<!tpu.dma_semaphore, #tpu.memory_space<semaphore_mem>>)
        %dma_wait3A_84 = arith.constant 0 : i32
        %dma_wait3A_85 = tpu.memref_slice %arg16[%dma_wait3A_84] : memref<216xf32, #tpu.memory_space<vmem>> -> memref<200xf32, #tpu.memory_space<vmem>>
        %dma_wait3A_86 = tpu.memref_slice %arg5[%add3A_48] : memref<320000xf32, #tpu.memory_space<hbm>> -> memref<200xf32, #tpu.memory_space<hbm>>
        %dma_wait3A_87 = tpu.memref_slice %arg5[%add3A_48] : memref<320000xf32, #tpu.memory_space<hbm>> -> memref<200xf32, #tpu.memory_space<hbm>>
        %dma_wait3A_88 = arith.constant 0 : i32
        %dma_wait3A_89 = tpu.memref_slice %arg16[%dma_wait3A_88] : memref<216xf32, #tpu.memory_space<vmem>> -> memref<200xf32, #tpu.memory_space<vmem>>
        tpu.wait_dma2 semaphore(%run_scoped3A : memref<!tpu.dma_semaphore, #tpu.memory_space<semaphore_mem>>) src(%dma_wait3A_89 : memref<200xf32, #tpu.memory_space<vmem>>) dst(%dma_wait3A_87 : memref<200xf32, #tpu.memory_space<hbm>>)
        tpu.yield
      }) : () -> ()
      %add3A_49 = arith.constant 2 : i32
      %add3A_50 = arith.addi %mul3A_16, %add3A_49 : i32
      %lt3A = arith.constant 50 : i32
      %lt3A_51 = arith.cmpi slt, %add3A_50, %lt3A : i32
      %convert_element_type3A = arith.extui %lt3A_51 : i1 to i32
      %cond3A = arith.constant 0 : i32
      %cond3A_52 = arith.cmpi ne, %convert_element_type3A, %cond3A : i32
      scf.if %cond3A_52 {
        %add3A_78 = arith.constant 2 : i32
        %add3A_79 = arith.addi %mul3A_16, %add3A_78 : i32
        %mul3A_80 = arith.constant 200 : i32
        %mul3A_81 = arith.muli %add3A_79, %mul3A_80 : i32
        %add3A_82 = arith.addi %mul3A_2, %mul3A_81 : i32
        "tpu.region"() ({
          %run_scoped3A = tpu.sem_alloc : memref<!tpu.dma_semaphore, #tpu.memory_space<semaphore_mem>>
          %dma_start3A_89 = tpu.memref_slice %arg3[%add3A_82] : memref<320000xi32, #tpu.memory_space<hbm>> -> memref<200xi32, #tpu.memory_space<hbm>>
          %dma_start3A_90 = tpu.memref_slice %arg3[%add3A_82] : memref<320000xi32, #tpu.memory_space<hbm>> -> memref<200xi32, #tpu.memory_space<hbm>>
          tpu.enqueue_dma source(%dma_start3A_90 : memref<200xi32, #tpu.memory_space<hbm>>) target(%arg6 : memref<200xi32, #tpu.memory_space<vmem>>) target_semaphore(%run_scoped3A : memref<!tpu.dma_semaphore, #tpu.memory_space<semaphore_mem>>)
          %dma_wait3A_91 = tpu.memref_slice %arg3[%add3A_82] : memref<320000xi32, #tpu.memory_space<hbm>> -> memref<200xi32, #tpu.memory_space<hbm>>
          %dma_wait3A_92 = tpu.memref_slice %arg3[%add3A_82] : memref<320000xi32, #tpu.memory_space<hbm>> -> memref<200xi32, #tpu.memory_space<hbm>>
          tpu.wait_dma2 semaphore(%run_scoped3A : memref<!tpu.dma_semaphore, #tpu.memory_space<semaphore_mem>>) src(%dma_wait3A_92 : memref<200xi32, #tpu.memory_space<hbm>>) dst(%arg6 : memref<200xi32, #tpu.memory_space<vmem>>)
          tpu.yield
        }) : () -> ()
        "tpu.region"() ({
          %run_scoped3A = tpu.sem_alloc : memref<!tpu.dma_semaphore, #tpu.memory_space<semaphore_mem>>
          %dma_start3A_89 = tpu.memref_slice %arg4[%add3A_82] : memref<320000xi32, #tpu.memory_space<hbm>> -> memref<200xi32, #tpu.memory_space<hbm>>
          %dma_start3A_90 = tpu.memref_slice %arg4[%add3A_82] : memref<320000xi32, #tpu.memory_space<hbm>> -> memref<200xi32, #tpu.memory_space<hbm>>
          tpu.enqueue_dma source(%dma_start3A_90 : memref<200xi32, #tpu.memory_space<hbm>>) target(%arg8 : memref<200xi32, #tpu.memory_space<vmem>>) target_semaphore(%run_scoped3A : memref<!tpu.dma_semaphore, #tpu.memory_space<semaphore_mem>>)
          %dma_wait3A_91 = tpu.memref_slice %arg4[%add3A_82] : memref<320000xi32, #tpu.memory_space<hbm>> -> memref<200xi32, #tpu.memory_space<hbm>>
          %dma_wait3A_92 = tpu.memref_slice %arg4[%add3A_82] : memref<320000xi32, #tpu.memory_space<hbm>> -> memref<200xi32, #tpu.memory_space<hbm>>
          tpu.wait_dma2 semaphore(%run_scoped3A : memref<!tpu.dma_semaphore, #tpu.memory_space<semaphore_mem>>) src(%dma_wait3A_92 : memref<200xi32, #tpu.memory_space<hbm>>) dst(%arg8 : memref<200xi32, #tpu.memory_space<vmem>>)
          tpu.yield
        }) : () -> ()
        %dma_start3A_83 = arith.constant 0 : i32
        %dma_start3A_84 = arith.constant 0 : i32
        %dma_start3A_85 = tpu.memref_slice %arg2[%dma_start3A_83, %dma_start3A_84] : memref<10000x128xi32, #tpu.memory_space<hbm>> -> memref<10000x128xi32, #tpu.memory_space<hbm>>
        tpu.enqueue_indirect_dma source(%dma_start3A_85 : memref<10000x128xi32, #tpu.memory_space<hbm>>) target(%arg10 : memref<200x128xi32, #tpu.memory_space<vmem>>) offsets(%arg6 : memref<200xi32, #tpu.memory_space<vmem>>) semaphore(%arg17 : memref<!tpu.dma_semaphore, #tpu.memory_space<semaphore_mem>>)
        %dma_start3A_86 = arith.constant 0 : i32
        %dma_start3A_87 = arith.constant 0 : i32
        %dma_start3A_88 = tpu.memref_slice %arg2[%dma_start3A_86, %dma_start3A_87] : memref<10000x128xi32, #tpu.memory_space<hbm>> -> memref<10000x128xi32, #tpu.memory_space<hbm>>
        tpu.enqueue_indirect_dma source(%dma_start3A_88 : memref<10000x128xi32, #tpu.memory_space<hbm>>) target(%arg12 : memref<200x128xi32, #tpu.memory_space<vmem>>) offsets(%arg8 : memref<200xi32, #tpu.memory_space<vmem>>) semaphore(%arg18 : memref<!tpu.dma_semaphore, #tpu.memory_space<semaphore_mem>>)
      } else {
      }
      %dma_wait3A_53 = arith.constant 0 : i32
      %dma_wait3A_54 = arith.constant 0 : i32
      %dma_wait3A_55 = tpu.memref_slice %arg2[%dma_wait3A_53, %dma_wait3A_54] : memref<10000x128xi32, #tpu.memory_space<hbm>> -> memref<10000x128xi32, #tpu.memory_space<hbm>>
      tpu.wait_indirect_dma semaphore(%arg17 : memref<!tpu.dma_semaphore, #tpu.memory_space<semaphore_mem>>) src(%dma_wait3A_55 : memref<10000x128xi32, #tpu.memory_space<hbm>>) dst(%arg11 : memref<200x128xi32, #tpu.memory_space<vmem>>)
      %dma_wait3A_56 = arith.constant 0 : i32
      %dma_wait3A_57 = arith.constant 0 : i32
      %dma_wait3A_58 = tpu.memref_slice %arg2[%dma_wait3A_56, %dma_wait3A_57] : memref<10000x128xi32, #tpu.memory_space<hbm>> -> memref<10000x128xi32, #tpu.memory_space<hbm>>
      tpu.wait_indirect_dma semaphore(%arg18 : memref<!tpu.dma_semaphore, #tpu.memory_space<semaphore_mem>>) src(%dma_wait3A_58 : memref<10000x128xi32, #tpu.memory_space<hbm>>) dst(%arg13 : memref<200x128xi32, #tpu.memory_space<vmem>>)
      %add3A_59 = arith.constant 1 : i32
      %add3A_60 = arith.addi %mul3A_16, %add3A_59 : i32
      %parallel_loop3A_61 = arith.constant 0 : i32
      %parallel_loop3A_62 = arith.constant 200 : i32
      %parallel_loop3A_63 = arith.constant 1 : i32
      %parallel_loop3A_64 = arith.constant -65536 : i32
      scf.for %parallel_loop3A_78 = %parallel_loop3A_61 to %parallel_loop3A_62 step %parallel_loop3A_63  : i32 {
        %parallel_loop3A_79 = arith.constant 0.000000e+00 : f32
        %parallel_loop3A_80 = vector.broadcast %parallel_loop3A_79 : f32 to vector<16xf32>
        %parallel_loop3A_81 = arith.constant 0.000000e+00 : f32
        %parallel_loop3A_82 = vector.broadcast %parallel_loop3A_81 : f32 to vector<16xf32>
        %parallel_loop3A_83 = arith.index_cast %parallel_loop3A_78 : i32 to index
        %parallel_loop3A_84 = arith.constant 0 : index
        %parallel_loop3A_85 = tpu.vector_load %arg11[%parallel_loop3A_83, %parallel_loop3A_84] {strides = array<i32>} : memref<200x128xi32, #tpu.memory_space<vmem>>, vector<1x16xi32>,
        %parallel_loop3A_86 = vector.shape_cast %parallel_loop3A_85 : vector<1x16xi32> to vector<16xi32>
        %parallel_loop3A_87 = arith.index_cast %parallel_loop3A_78 : i32 to index
        %parallel_loop3A_88 = arith.constant 0 : index
        %parallel_loop3A_89 = tpu.vector_load %arg13[%parallel_loop3A_87, %parallel_loop3A_88] {strides = array<i32>} : memref<200x128xi32, #tpu.memory_space<vmem>>, vector<1x16xi32>,
        %parallel_loop3A_90 = vector.shape_cast %parallel_loop3A_89 : vector<1x16xi32> to vector<16xi32>
        %parallel_loop3A_91 = arith.constant 16 : i32
        %parallel_loop3A_92 = vector.broadcast %parallel_loop3A_91 : i32 to vector<16xi32>
        %parallel_loop3A_93 = arith.shli %parallel_loop3A_86, %parallel_loop3A_92 : vector<16xi32>
        %parallel_loop3A_94 = tpu.bitcast %parallel_loop3A_93 : vector<16xi32> -> vector<16xf32>
        %parallel_loop3A_95 = arith.constant 16 : i32
        %parallel_loop3A_96 = vector.broadcast %parallel_loop3A_95 : i32 to vector<16xi32>
        %parallel_loop3A_97 = arith.shli %parallel_loop3A_90, %parallel_loop3A_96 : vector<16xi32>
        %parallel_loop3A_98 = tpu.bitcast %parallel_loop3A_97 : vector<16xi32> -> vector<16xf32>
        %parallel_loop3A_99 = vector.broadcast %parallel_loop3A_64 : i32 to vector<16xi32>
        %parallel_loop3A_100 = arith.andi %parallel_loop3A_86, %parallel_loop3A_99 : vector<16xi32>
        %parallel_loop3A_101 = tpu.bitcast %parallel_loop3A_100 : vector<16xi32> -> vector<16xf32>
        %parallel_loop3A_102 = vector.broadcast %parallel_loop3A_64 : i32 to vector<16xi32>
        %parallel_loop3A_103 = arith.andi %parallel_loop3A_90, %parallel_loop3A_102 : vector<16xi32>
        %parallel_loop3A_104 = tpu.bitcast %parallel_loop3A_103 : vector<16xi32> -> vector<16xf32>
        %parallel_loop3A_105 = arith.mulf %parallel_loop3A_94, %parallel_loop3A_98 : vector<16xf32>
        %parallel_loop3A_106 = arith.addf %parallel_loop3A_80, %parallel_loop3A_105 : vector<16xf32>
        %parallel_loop3A_107 = arith.mulf %parallel_loop3A_101, %parallel_loop3A_104 : vector<16xf32>
        %parallel_loop3A_108 = arith.addf %parallel_loop3A_82, %parallel_loop3A_107 : vector<16xf32>
        %parallel_loop3A_109 = arith.index_cast %parallel_loop3A_78 : i32 to index
        %parallel_loop3A_110 = arith.constant 16 : index
        %parallel_loop3A_111 = tpu.vector_load %arg11[%parallel_loop3A_109, %parallel_loop3A_110] {strides = array<i32>} : memref<200x128xi32, #tpu.memory_space<vmem>>, vector<1x16xi32>,
        %parallel_loop3A_112 = vector.shape_cast %parallel_loop3A_111 : vector<1x16xi32> to vector<16xi32>
        %parallel_loop3A_113 = arith.index_cast %parallel_loop3A_78 : i32 to index
        %parallel_loop3A_114 = arith.constant 16 : index
        %parallel_loop3A_115 = tpu.vector_load %arg13[%parallel_loop3A_113, %parallel_loop3A_114] {strides = array<i32>} : memref<200x128xi32, #tpu.memory_space<vmem>>, vector<1x16xi32>,
        %parallel_loop3A_116 = vector.shape_cast %parallel_loop3A_115 : vector<1x16xi32> to vector<16xi32>
        %parallel_loop3A_117 = arith.constant 16 : i32
        %parallel_loop3A_118 = vector.broadcast %parallel_loop3A_117 : i32 to vector<16xi32>
        %parallel_loop3A_119 = arith.shli %parallel_loop3A_112, %parallel_loop3A_118 : vector<16xi32>
        %parallel_loop3A_120 = tpu.bitcast %parallel_loop3A_119 : vector<16xi32> -> vector<16xf32>
        %parallel_loop3A_121 = arith.constant 16 : i32
        %parallel_loop3A_122 = vector.broadcast %parallel_loop3A_121 : i32 to vector<16xi32>
        %parallel_loop3A_123 = arith.shli %parallel_loop3A_116, %parallel_loop3A_122 : vector<16xi32>
        %parallel_loop3A_124 = tpu.bitcast %parallel_loop3A_123 : vector<16xi32> -> vector<16xf32>
        %parallel_loop3A_125 = vector.broadcast %parallel_loop3A_64 : i32 to vector<16xi32>
        %parallel_loop3A_126 = arith.andi %parallel_loop3A_112, %parallel_loop3A_125 : vector<16xi32>
        %parallel_loop3A_127 = tpu.bitcast %parallel_loop3A_126 : vector<16xi32> -> vector<16xf32>
        %parallel_loop3A_128 = vector.broadcast %parallel_loop3A_64 : i32 to vector<16xi32>
        %parallel_loop3A_129 = arith.andi %parallel_loop3A_116, %parallel_loop3A_128 : vector<16xi32>
        %parallel_loop3A_130 = tpu.bitcast %parallel_loop3A_129 : vector<16xi32> -> vector<16xf32>
        %parallel_loop3A_131 = arith.mulf %parallel_loop3A_120, %parallel_loop3A_124 : vector<16xf32>
        %parallel_loop3A_132 = arith.addf %parallel_loop3A_106, %parallel_loop3A_131 : vector<16xf32>
        %parallel_loop3A_133 = arith.mulf %parallel_loop3A_127, %parallel_loop3A_130 : vector<16xf32>
        %parallel_loop3A_134 = arith.addf %parallel_loop3A_108, %parallel_loop3A_133 : vector<16xf32>
        %parallel_loop3A_135 = arith.index_cast %parallel_loop3A_78 : i32 to index
        %parallel_loop3A_136 = arith.constant 32 : index
        %parallel_loop3A_137 = tpu.vector_load %arg11[%parallel_loop3A_135, %parallel_loop3A_136] {strides = array<i32>} : memref<200x128xi32, #tpu.memory_space<vmem>>, vector<1x16xi32>,
        %parallel_loop3A_138 = vector.shape_cast %parallel_loop3A_137 : vector<1x16xi32> to vector<16xi32>
        %parallel_loop3A_139 = arith.index_cast %parallel_loop3A_78 : i32 to index
        %parallel_loop3A_140 = arith.constant 32 : index
        %parallel_loop3A_141 = tpu.vector_load %arg13[%parallel_loop3A_139, %parallel_loop3A_140] {strides = array<i32>} : memref<200x128xi32, #tpu.memory_space<vmem>>, vector<1x16xi32>,
        %parallel_loop3A_142 = vector.shape_cast %parallel_loop3A_141 : vector<1x16xi32> to vector<16xi32>
        %parallel_loop3A_143 = arith.constant 16 : i32
        %parallel_loop3A_144 = vector.broadcast %parallel_loop3A_143 : i32 to vector<16xi32>
        %parallel_loop3A_145 = arith.shli %parallel_loop3A_138, %parallel_loop3A_144 : vector<16xi32>
        %parallel_loop3A_146 = tpu.bitcast %parallel_loop3A_145 : vector<16xi32> -> vector<16xf32>
        %parallel_loop3A_147 = arith.constant 16 : i32
        %parallel_loop3A_148 = vector.broadcast %parallel_loop3A_147 : i32 to vector<16xi32>
        %parallel_loop3A_149 = arith.shli %parallel_loop3A_142, %parallel_loop3A_148 : vector<16xi32>
        %parallel_loop3A_150 = tpu.bitcast %parallel_loop3A_149 : vector<16xi32> -> vector<16xf32>
        %parallel_loop3A_151 = vector.broadcast %parallel_loop3A_64 : i32 to vector<16xi32>
        %parallel_loop3A_152 = arith.andi %parallel_loop3A_138, %parallel_loop3A_151 : vector<16xi32>
        %parallel_loop3A_153 = tpu.bitcast %parallel_loop3A_152 : vector<16xi32> -> vector<16xf32>
        %parallel_loop3A_154 = vector.broadcast %parallel_loop3A_64 : i32 to vector<16xi32>
        %parallel_loop3A_155 = arith.andi %parallel_loop3A_142, %parallel_loop3A_154 : vector<16xi32>
        %parallel_loop3A_156 = tpu.bitcast %parallel_loop3A_155 : vector<16xi32> -> vector<16xf32>
        %parallel_loop3A_157 = arith.mulf %parallel_loop3A_146, %parallel_loop3A_150 : vector<16xf32>
        %parallel_loop3A_158 = arith.addf %parallel_loop3A_132, %parallel_loop3A_157 : vector<16xf32>
        %parallel_loop3A_159 = arith.mulf %parallel_loop3A_153, %parallel_loop3A_156 : vector<16xf32>
        %parallel_loop3A_160 = arith.addf %parallel_loop3A_134, %parallel_loop3A_159 : vector<16xf32>
        %parallel_loop3A_161 = arith.index_cast %parallel_loop3A_78 : i32 to index
        %parallel_loop3A_162 = arith.constant 48 : index
        %parallel_loop3A_163 = tpu.vector_load %arg11[%parallel_loop3A_161, %parallel_loop3A_162] {strides = array<i32>} : memref<200x128xi32, #tpu.memory_space<vmem>>, vector<1x16xi32>,
        %parallel_loop3A_164 = vector.shape_cast %parallel_loop3A_163 : vector<1x16xi32> to vector<16xi32>
        %parallel_loop3A_165 = arith.index_cast %parallel_loop3A_78 : i32 to index
        %parallel_loop3A_166 = arith.constant 48 : index
        %parallel_loop3A_167 = tpu.vector_load %arg13[%parallel_loop3A_165, %parallel_loop3A_166] {strides = array<i32>} : memref<200x128xi32, #tpu.memory_space<vmem>>, vector<1x16xi32>,
        %parallel_loop3A_168 = vector.shape_cast %parallel_loop3A_167 : vector<1x16xi32> to vector<16xi32>
        %parallel_loop3A_169 = arith.constant 16 : i32
        %parallel_loop3A_170 = vector.broadcast %parallel_loop3A_169 : i32 to vector<16xi32>
        %parallel_loop3A_171 = arith.shli %parallel_loop3A_164, %parallel_loop3A_170 : vector<16xi32>
        %parallel_loop3A_172 = tpu.bitcast %parallel_loop3A_171 : vector<16xi32> -> vector<16xf32>
        %parallel_loop3A_173 = arith.constant 16 : i32
        %parallel_loop3A_174 = vector.broadcast %parallel_loop3A_173 : i32 to vector<16xi32>
        %parallel_loop3A_175 = arith.shli %parallel_loop3A_168, %parallel_loop3A_174 : vector<16xi32>
        %parallel_loop3A_176 = tpu.bitcast %parallel_loop3A_175 : vector<16xi32> -> vector<16xf32>
        %parallel_loop3A_177 = vector.broadcast %parallel_loop3A_64 : i32 to vector<16xi32>
        %parallel_loop3A_178 = arith.andi %parallel_loop3A_164, %parallel_loop3A_177 : vector<16xi32>
        %parallel_loop3A_179 = tpu.bitcast %parallel_loop3A_178 : vector<16xi32> -> vector<16xf32>
        %parallel_loop3A_180 = vector.broadcast %parallel_loop3A_64 : i32 to vector<16xi32>
        %parallel_loop3A_181 = arith.andi %parallel_loop3A_168, %parallel_loop3A_180 : vector<16xi32>
        %parallel_loop3A_182 = tpu.bitcast %parallel_loop3A_181 : vector<16xi32> -> vector<16xf32>
        %parallel_loop3A_183 = arith.mulf %parallel_loop3A_172, %parallel_loop3A_176 : vector<16xf32>
        %parallel_loop3A_184 = arith.addf %parallel_loop3A_158, %parallel_loop3A_183 : vector<16xf32>
        %parallel_loop3A_185 = arith.mulf %parallel_loop3A_179, %parallel_loop3A_182 : vector<16xf32>
        %parallel_loop3A_186 = arith.addf %parallel_loop3A_160, %parallel_loop3A_185 : vector<16xf32>
        %parallel_loop3A_187 = arith.addf %parallel_loop3A_184, %parallel_loop3A_186 : vector<16xf32>
        %parallel_loop3A_188 = arith.constant 16 : i32
        %parallel_loop3A_189 = arith.muli %parallel_loop3A_78, %parallel_loop3A_188 : i32
        %parallel_loop3A_190 = arith.index_cast %parallel_loop3A_189 : i32 to index
        %parallel_loop3A_191 = tpu.vector_load %arg14[%parallel_loop3A_190] {strides = array<i32>} : memref<3216xf32, #tpu.memory_space<vmem>>, vector<16xf32>,
        %parallel_loop3A_192 = vector.shape_cast %parallel_loop3A_191 : vector<16xf32> to vector<16xf32>
        %parallel_loop3A_193 = vector.shape_cast %parallel_loop3A_187 : vector<16xf32> to vector<16xf32>
        tpu.vector_store %arg14[%parallel_loop3A_190], %parallel_loop3A_193 {strides = array<i32>} : memref<3216xf32, #tpu.memory_space<vmem>>, vector<16xf32>,
      } {sc.loop_unroll_factor = 4 : i64, sc.parallel_access}
      %scan3A_65 = arith.constant 0 : i32
      %scan3A_66 = arith.constant 200 : i32
      %scan3A_67 = arith.addi %scan3A_65, %scan3A_66 : i32
      %scan3A_68 = arith.constant 4 : i32
      scf.for %scan3A_78 = %scan3A_65 to %scan3A_67 step %scan3A_68  : i32 {
        %mul3A_79 = arith.constant 16 : i32
        %mul3A_80 = arith.muli %scan3A_78, %mul3A_79 : i32
        %get3A = arith.index_cast %mul3A_80 : i32 to index
        %get3A_81 = tpu.vector_load %arg14[%get3A] {strides = array<i32>} : memref<3216xf32, #tpu.memory_space<vmem>>, vector<16xf32>,
        %get3A_82 = vector.shape_cast %get3A_81 : vector<16xf32> to vector<16xf32>
        %mul3A_83 = arith.constant 16 : i32
        %mul3A_84 = arith.muli %scan3A_78, %mul3A_83 : i32
        %add3A_85 = arith.constant 4 : i32
        %add3A_86 = arith.addi %mul3A_84, %add3A_85 : i32
        %get3A_87 = arith.index_cast %add3A_86 : i32 to index
        %get3A_88 = tpu.vector_load %arg14[%get3A_87] {strides = array<i32>} : memref<3216xf32, #tpu.memory_space<vmem>>, vector<16xf32>,
        %get3A_89 = vector.shape_cast %get3A_88 : vector<16xf32> to vector<16xf32>
        %add3A_90 = arith.addf %get3A_82, %get3A_89 : vector<16xf32>
        %mul3A_91 = arith.constant 16 : i32
        %mul3A_92 = arith.muli %scan3A_78, %mul3A_91 : i32
        %add3A_93 = arith.constant 8 : i32
        %add3A_94 = arith.addi %mul3A_92, %add3A_93 : i32
        %get3A_95 = arith.index_cast %add3A_94 : i32 to index
        %get3A_96 = tpu.vector_load %arg14[%get3A_95] {strides = array<i32>} : memref<3216xf32, #tpu.memory_space<vmem>>, vector<16xf32>,
        %get3A_97 = vector.shape_cast %get3A_96 : vector<16xf32> to vector<16xf32>
        %add3A_98 = arith.addf %add3A_90, %get3A_97 : vector<16xf32>
        %mul3A_99 = arith.constant 16 : i32
        %mul3A_100 = arith.muli %scan3A_78, %mul3A_99 : i32
        %add3A_101 = arith.constant 12 : i32
        %add3A_102 = arith.addi %mul3A_100, %add3A_101 : i32
        %get3A_103 = arith.index_cast %add3A_102 : i32 to index
        %get3A_104 = tpu.vector_load %arg14[%get3A_103] {strides = array<i32>} : memref<3216xf32, #tpu.memory_space<vmem>>, vector<16xf32>,
        %get3A_105 = vector.shape_cast %get3A_104 : vector<16xf32> to vector<16xf32>
        %add3A_106 = arith.addf %add3A_98, %get3A_105 : vector<16xf32>
        %mul3A_107 = arith.constant 4 : i32
        %mul3A_108 = arith.muli %scan3A_78, %mul3A_107 : i32
        %swap3A = arith.index_cast %mul3A_108 : i32 to index
        %swap3A_109 = tpu.vector_load %arg15[%swap3A] {strides = array<i32>} : memref<816xf32, #tpu.memory_space<vmem>>, vector<16xf32>,
        %swap3A_110 = vector.shape_cast %swap3A_109 : vector<16xf32> to vector<16xf32>
        %swap3A_111 = vector.shape_cast %add3A_106 : vector<16xf32> to vector<16xf32>
        tpu.vector_store %arg15[%swap3A], %swap3A_111 {strides = array<i32>} : memref<816xf32, #tpu.memory_space<vmem>>, vector<16xf32>,
        %scan3A_112 = arith.constant 1 : i32
        %scan3A_113 = arith.addi %scan3A_78, %scan3A_112 : i32
        %mul3A_114 = arith.constant 16 : i32
        %mul3A_115 = arith.muli %scan3A_113, %mul3A_114 : i32
        %get3A_116 = arith.index_cast %mul3A_115 : i32 to index
        %get3A_117 = tpu.vector_load %arg14[%get3A_116] {strides = array<i32>} : memref<3216xf32, #tpu.memory_space<vmem>>, vector<16xf32>,
        %get3A_118 = vector.shape_cast %get3A_117 : vector<16xf32> to vector<16xf32>
        %mul3A_119 = arith.constant 16 : i32
        %mul3A_120 = arith.muli %scan3A_113, %mul3A_119 : i32
        %add3A_121 = arith.constant 4 : i32
        %add3A_122 = arith.addi %mul3A_120, %add3A_121 : i32
        %get3A_123 = arith.index_cast %add3A_122 : i32 to index
        %get3A_124 = tpu.vector_load %arg14[%get3A_123] {strides = array<i32>} : memref<3216xf32, #tpu.memory_space<vmem>>, vector<16xf32>,
        %get3A_125 = vector.shape_cast %get3A_124 : vector<16xf32> to vector<16xf32>
        %add3A_126 = arith.addf %get3A_118, %get3A_125 : vector<16xf32>
        %mul3A_127 = arith.constant 16 : i32
        %mul3A_128 = arith.muli %scan3A_113, %mul3A_127 : i32
        %add3A_129 = arith.constant 8 : i32
        %add3A_130 = arith.addi %mul3A_128, %add3A_129 : i32
        %get3A_131 = arith.index_cast %add3A_130 : i32 to index
        %get3A_132 = tpu.vector_load %arg14[%get3A_131] {strides = array<i32>} : memref<3216xf32, #tpu.memory_space<vmem>>, vector<16xf32>,
        %get3A_133 = vector.shape_cast %get3A_132 : vector<16xf32> to vector<16xf32>
        %add3A_134 = arith.addf %add3A_126, %get3A_133 : vector<16xf32>
        %mul3A_135 = arith.constant 16 : i32
        %mul3A_136 = arith.muli %scan3A_113, %mul3A_135 : i32
        %add3A_137 = arith.constant 12 : i32
        %add3A_138 = arith.addi %mul3A_136, %add3A_137 : i32
        %get3A_139 = arith.index_cast %add3A_138 : i32 to index
        %get3A_140 = tpu.vector_load %arg14[%get3A_139] {strides = array<i32>} : memref<3216xf32, #tpu.memory_space<vmem>>, vector<16xf32>,
        %get3A_141 = vector.shape_cast %get3A_140 : vector<16xf32> to vector<16xf32>
        %add3A_142 = arith.addf %add3A_134, %get3A_141 : vector<16xf32>
        %mul3A_143 = arith.constant 4 : i32
        %mul3A_144 = arith.muli %scan3A_113, %mul3A_143 : i32
        %swap3A_145 = arith.index_cast %mul3A_144 : i32 to index
        %swap3A_146 = tpu.vector_load %arg15[%swap3A_145] {strides = array<i32>} : memref<816xf32, #tpu.memory_space<vmem>>, vector<16xf32>,
        %swap3A_147 = vector.shape_cast %swap3A_146 : vector<16xf32> to vector<16xf32>
        %swap3A_148 = vector.shape_cast %add3A_142 : vector<16xf32> to vector<16xf32>
        tpu.vector_store %arg15[%swap3A_145], %swap3A_148 {strides = array<i32>} : memref<816xf32, #tpu.memory_space<vmem>>, vector<16xf32>,
        %scan3A_149 = arith.constant 2 : i32
        %scan3A_150 = arith.addi %scan3A_78, %scan3A_149 : i32
        %mul3A_151 = arith.constant 16 : i32
        %mul3A_152 = arith.muli %scan3A_150, %mul3A_151 : i32
        %get3A_153 = arith.index_cast %mul3A_152 : i32 to index
        %get3A_154 = tpu.vector_load %arg14[%get3A_153] {strides = array<i32>} : memref<3216xf32, #tpu.memory_space<vmem>>, vector<16xf32>,
        %get3A_155 = vector.shape_cast %get3A_154 : vector<16xf32> to vector<16xf32>
        %mul3A_156 = arith.constant 16 : i32
        %mul3A_157 = arith.muli %scan3A_150, %mul3A_156 : i32
        %add3A_158 = arith.constant 4 : i32
        %add3A_159 = arith.addi %mul3A_157, %add3A_158 : i32
        %get3A_160 = arith.index_cast %add3A_159 : i32 to index
        %get3A_161 = tpu.vector_load %arg14[%get3A_160] {strides = array<i32>} : memref<3216xf32, #tpu.memory_space<vmem>>, vector<16xf32>,
        %get3A_162 = vector.shape_cast %get3A_161 : vector<16xf32> to vector<16xf32>
        %add3A_163 = arith.addf %get3A_155, %get3A_162 : vector<16xf32>
        %mul3A_164 = arith.constant 16 : i32
        %mul3A_165 = arith.muli %scan3A_150, %mul3A_164 : i32
        %add3A_166 = arith.constant 8 : i32
        %add3A_167 = arith.addi %mul3A_165, %add3A_166 : i32
        %get3A_168 = arith.index_cast %add3A_167 : i32 to index
        %get3A_169 = tpu.vector_load %arg14[%get3A_168] {strides = array<i32>} : memref<3216xf32, #tpu.memory_space<vmem>>, vector<16xf32>,
        %get3A_170 = vector.shape_cast %get3A_169 : vector<16xf32> to vector<16xf32>
        %add3A_171 = arith.addf %add3A_163, %get3A_170 : vector<16xf32>
        %mul3A_172 = arith.constant 16 : i32
        %mul3A_173 = arith.muli %scan3A_150, %mul3A_172 : i32
        %add3A_174 = arith.constant 12 : i32
        %add3A_175 = arith.addi %mul3A_173, %add3A_174 : i32
        %get3A_176 = arith.index_cast %add3A_175 : i32 to index
        %get3A_177 = tpu.vector_load %arg14[%get3A_176] {strides = array<i32>} : memref<3216xf32, #tpu.memory_space<vmem>>, vector<16xf32>,
        %get3A_178 = vector.shape_cast %get3A_177 : vector<16xf32> to vector<16xf32>
        %add3A_179 = arith.addf %add3A_171, %get3A_178 : vector<16xf32>
        %mul3A_180 = arith.constant 4 : i32
        %mul3A_181 = arith.muli %scan3A_150, %mul3A_180 : i32
        %swap3A_182 = arith.index_cast %mul3A_181 : i32 to index
        %swap3A_183 = tpu.vector_load %arg15[%swap3A_182] {strides = array<i32>} : memref<816xf32, #tpu.memory_space<vmem>>, vector<16xf32>,
        %swap3A_184 = vector.shape_cast %swap3A_183 : vector<16xf32> to vector<16xf32>
        %swap3A_185 = vector.shape_cast %add3A_179 : vector<16xf32> to vector<16xf32>
        tpu.vector_store %arg15[%swap3A_182], %swap3A_185 {strides = array<i32>} : memref<816xf32, #tpu.memory_space<vmem>>, vector<16xf32>,
        %scan3A_186 = arith.constant 3 : i32
        %scan3A_187 = arith.addi %scan3A_78, %scan3A_186 : i32
        %mul3A_188 = arith.constant 16 : i32
        %mul3A_189 = arith.muli %scan3A_187, %mul3A_188 : i32
        %get3A_190 = arith.index_cast %mul3A_189 : i32 to index
        %get3A_191 = tpu.vector_load %arg14[%get3A_190] {strides = array<i32>} : memref<3216xf32, #tpu.memory_space<vmem>>, vector<16xf32>,
        %get3A_192 = vector.shape_cast %get3A_191 : vector<16xf32> to vector<16xf32>
        %mul3A_193 = arith.constant 16 : i32
        %mul3A_194 = arith.muli %scan3A_187, %mul3A_193 : i32
        %add3A_195 = arith.constant 4 : i32
        %add3A_196 = arith.addi %mul3A_194, %add3A_195 : i32
        %get3A_197 = arith.index_cast %add3A_196 : i32 to index
        %get3A_198 = tpu.vector_load %arg14[%get3A_197] {strides = array<i32>} : memref<3216xf32, #tpu.memory_space<vmem>>, vector<16xf32>,
        %get3A_199 = vector.shape_cast %get3A_198 : vector<16xf32> to vector<16xf32>
        %add3A_200 = arith.addf %get3A_192, %get3A_199 : vector<16xf32>
        %mul3A_201 = arith.constant 16 : i32
        %mul3A_202 = arith.muli %scan3A_187, %mul3A_201 : i32
        %add3A_203 = arith.constant 8 : i32
        %add3A_204 = arith.addi %mul3A_202, %add3A_203 : i32
        %get3A_205 = arith.index_cast %add3A_204 : i32 to index
        %get3A_206 = tpu.vector_load %arg14[%get3A_205] {strides = array<i32>} : memref<3216xf32, #tpu.memory_space<vmem>>, vector<16xf32>,
        %get3A_207 = vector.shape_cast %get3A_206 : vector<16xf32> to vector<16xf32>
        %add3A_208 = arith.addf %add3A_200, %get3A_207 : vector<16xf32>
        %mul3A_209 = arith.constant 16 : i32
        %mul3A_210 = arith.muli %scan3A_187, %mul3A_209 : i32
        %add3A_211 = arith.constant 12 : i32
        %add3A_212 = arith.addi %mul3A_210, %add3A_211 : i32
        %get3A_213 = arith.index_cast %add3A_212 : i32 to index
        %get3A_214 = tpu.vector_load %arg14[%get3A_213] {strides = array<i32>} : memref<3216xf32, #tpu.memory_space<vmem>>, vector<16xf32>,
        %get3A_215 = vector.shape_cast %get3A_214 : vector<16xf32> to vector<16xf32>
        %add3A_216 = arith.addf %add3A_208, %get3A_215 : vector<16xf32>
        %mul3A_217 = arith.constant 4 : i32
        %mul3A_218 = arith.muli %scan3A_187, %mul3A_217 : i32
        %swap3A_219 = arith.index_cast %mul3A_218 : i32 to index
        %swap3A_220 = tpu.vector_load %arg15[%swap3A_219] {strides = array<i32>} : memref<816xf32, #tpu.memory_space<vmem>>, vector<16xf32>,
        %swap3A_221 = vector.shape_cast %swap3A_220 : vector<16xf32> to vector<16xf32>
        %swap3A_222 = vector.shape_cast %add3A_216 : vector<16xf32> to vector<16xf32>
        tpu.vector_store %arg15[%swap3A_219], %swap3A_222 {strides = array<i32>} : memref<816xf32, #tpu.memory_space<vmem>>, vector<16xf32>,
      }
      %scan3A_69 = arith.constant 200 : i32
      %scan3A_70 = arith.constant 0 : i32
      %scan3A_71 = arith.constant 200 : i32
      %scan3A_72 = arith.addi %scan3A_70, %scan3A_71 : i32
      %scan3A_73 = arith.constant 4 : i32
      scf.for %scan3A_78 = %scan3A_70 to %scan3A_72 step %scan3A_73  : i32 {
        %mul3A_79 = arith.constant 4 : i32
        %mul3A_80 = arith.muli %scan3A_78, %mul3A_79 : i32
        %get3A = arith.index_cast %mul3A_80 : i32 to index
        %get3A_81 = tpu.vector_load %arg15[%get3A] {strides = array<i32>} : memref<816xf32, #tpu.memory_space<vmem>>, vector<16xf32>,
        %get3A_82 = vector.shape_cast %get3A_81 : vector<16xf32> to vector<16xf32>
        %mul3A_83 = arith.constant 4 : i32
        %mul3A_84 = arith.muli %scan3A_78, %mul3A_83 : i32
        %add3A_85 = arith.constant 1 : i32
        %add3A_86 = arith.addi %mul3A_84, %add3A_85 : i32
        %get3A_87 = arith.index_cast %add3A_86 : i32 to index
        %get3A_88 = tpu.vector_load %arg15[%get3A_87] {strides = array<i32>} : memref<816xf32, #tpu.memory_space<vmem>>, vector<16xf32>,
        %get3A_89 = vector.shape_cast %get3A_88 : vector<16xf32> to vector<16xf32>
        %add3A_90 = arith.addf %get3A_82, %get3A_89 : vector<16xf32>
        %mul3A_91 = arith.constant 4 : i32
        %mul3A_92 = arith.muli %scan3A_78, %mul3A_91 : i32
        %add3A_93 = arith.constant 2 : i32
        %add3A_94 = arith.addi %mul3A_92, %add3A_93 : i32
        %get3A_95 = arith.index_cast %add3A_94 : i32 to index
        %get3A_96 = tpu.vector_load %arg15[%get3A_95] {strides = array<i32>} : memref<816xf32, #tpu.memory_space<vmem>>, vector<16xf32>,
        %get3A_97 = vector.shape_cast %get3A_96 : vector<16xf32> to vector<16xf32>
        %add3A_98 = arith.addf %add3A_90, %get3A_97 : vector<16xf32>
        %mul3A_99 = arith.constant 4 : i32
        %mul3A_100 = arith.muli %scan3A_78, %mul3A_99 : i32
        %add3A_101 = arith.constant 3 : i32
        %add3A_102 = arith.addi %mul3A_100, %add3A_101 : i32
        %get3A_103 = arith.index_cast %add3A_102 : i32 to index
        %get3A_104 = tpu.vector_load %arg15[%get3A_103] {strides = array<i32>} : memref<816xf32, #tpu.memory_space<vmem>>, vector<16xf32>,
        %get3A_105 = vector.shape_cast %get3A_104 : vector<16xf32> to vector<16xf32>
        %add3A_106 = arith.addf %add3A_98, %get3A_105 : vector<16xf32>
        %swap3A = arith.index_cast %scan3A_78 : i32 to index
        %swap3A_107 = tpu.vector_load %arg16[%swap3A] {strides = array<i32>} : memref<216xf32, #tpu.memory_space<vmem>>, vector<16xf32>,
        %swap3A_108 = vector.shape_cast %swap3A_107 : vector<16xf32> to vector<16xf32>
        %swap3A_109 = vector.shape_cast %add3A_106 : vector<16xf32> to vector<16xf32>
        tpu.vector_store %arg16[%swap3A], %swap3A_109 {strides = array<i32>} : memref<216xf32, #tpu.memory_space<vmem>>, vector<16xf32>,
        %scan3A_110 = arith.constant 1 : i32
        %scan3A_111 = arith.addi %scan3A_78, %scan3A_110 : i32
        %mul3A_112 = arith.constant 4 : i32
        %mul3A_113 = arith.muli %scan3A_111, %mul3A_112 : i32
        %get3A_114 = arith.index_cast %mul3A_113 : i32 to index
        %get3A_115 = tpu.vector_load %arg15[%get3A_114] {strides = array<i32>} : memref<816xf32, #tpu.memory_space<vmem>>, vector<16xf32>,
        %get3A_116 = vector.shape_cast %get3A_115 : vector<16xf32> to vector<16xf32>
        %mul3A_117 = arith.constant 4 : i32
        %mul3A_118 = arith.muli %scan3A_111, %mul3A_117 : i32
        %add3A_119 = arith.constant 1 : i32
        %add3A_120 = arith.addi %mul3A_118, %add3A_119 : i32
        %get3A_121 = arith.index_cast %add3A_120 : i32 to index
        %get3A_122 = tpu.vector_load %arg15[%get3A_121] {strides = array<i32>} : memref<816xf32, #tpu.memory_space<vmem>>, vector<16xf32>,
        %get3A_123 = vector.shape_cast %get3A_122 : vector<16xf32> to vector<16xf32>
        %add3A_124 = arith.addf %get3A_116, %get3A_123 : vector<16xf32>
        %mul3A_125 = arith.constant 4 : i32
        %mul3A_126 = arith.muli %scan3A_111, %mul3A_125 : i32
        %add3A_127 = arith.constant 2 : i32
        %add3A_128 = arith.addi %mul3A_126, %add3A_127 : i32
        %get3A_129 = arith.index_cast %add3A_128 : i32 to index
        %get3A_130 = tpu.vector_load %arg15[%get3A_129] {strides = array<i32>} : memref<816xf32, #tpu.memory_space<vmem>>, vector<16xf32>,
        %get3A_131 = vector.shape_cast %get3A_130 : vector<16xf32> to vector<16xf32>
        %add3A_132 = arith.addf %add3A_124, %get3A_131 : vector<16xf32>
        %mul3A_133 = arith.constant 4 : i32
        %mul3A_134 = arith.muli %scan3A_111, %mul3A_133 : i32
        %add3A_135 = arith.constant 3 : i32
        %add3A_136 = arith.addi %mul3A_134, %add3A_135 : i32
        %get3A_137 = arith.index_cast %add3A_136 : i32 to index
        %get3A_138 = tpu.vector_load %arg15[%get3A_137] {strides = array<i32>} : memref<816xf32, #tpu.memory_space<vmem>>, vector<16xf32>,
        %get3A_139 = vector.shape_cast %get3A_138 : vector<16xf32> to vector<16xf32>
        %add3A_140 = arith.addf %add3A_132, %get3A_139 : vector<16xf32>
        %swap3A_141 = arith.index_cast %scan3A_111 : i32 to index
        %swap3A_142 = tpu.vector_load %arg16[%swap3A_141] {strides = array<i32>} : memref<216xf32, #tpu.memory_space<vmem>>, vector<16xf32>,
        %swap3A_143 = vector.shape_cast %swap3A_142 : vector<16xf32> to vector<16xf32>
        %swap3A_144 = vector.shape_cast %add3A_140 : vector<16xf32> to vector<16xf32>
        tpu.vector_store %arg16[%swap3A_141], %swap3A_144 {strides = array<i32>} : memref<216xf32, #tpu.memory_space<vmem>>, vector<16xf32>,
        %scan3A_145 = arith.constant 2 : i32
        %scan3A_146 = arith.addi %scan3A_78, %scan3A_145 : i32
        %mul3A_147 = arith.constant 4 : i32
        %mul3A_148 = arith.muli %scan3A_146, %mul3A_147 : i32
        %get3A_149 = arith.index_cast %mul3A_148 : i32 to index
        %get3A_150 = tpu.vector_load %arg15[%get3A_149] {strides = array<i32>} : memref<816xf32, #tpu.memory_space<vmem>>, vector<16xf32>,
        %get3A_151 = vector.shape_cast %get3A_150 : vector<16xf32> to vector<16xf32>
        %mul3A_152 = arith.constant 4 : i32
        %mul3A_153 = arith.muli %scan3A_146, %mul3A_152 : i32
        %add3A_154 = arith.constant 1 : i32
        %add3A_155 = arith.addi %mul3A_153, %add3A_154 : i32
        %get3A_156 = arith.index_cast %add3A_155 : i32 to index
        %get3A_157 = tpu.vector_load %arg15[%get3A_156] {strides = array<i32>} : memref<816xf32, #tpu.memory_space<vmem>>, vector<16xf32>,
        %get3A_158 = vector.shape_cast %get3A_157 : vector<16xf32> to vector<16xf32>
        %add3A_159 = arith.addf %get3A_151, %get3A_158 : vector<16xf32>
        %mul3A_160 = arith.constant 4 : i32
        %mul3A_161 = arith.muli %scan3A_146, %mul3A_160 : i32
        %add3A_162 = arith.constant 2 : i32
        %add3A_163 = arith.addi %mul3A_161, %add3A_162 : i32
        %get3A_164 = arith.index_cast %add3A_163 : i32 to index
        %get3A_165 = tpu.vector_load %arg15[%get3A_164] {strides = array<i32>} : memref<816xf32, #tpu.memory_space<vmem>>, vector<16xf32>,
        %get3A_166 = vector.shape_cast %get3A_165 : vector<16xf32> to vector<16xf32>
        %add3A_167 = arith.addf %add3A_159, %get3A_166 : vector<16xf32>
        %mul3A_168 = arith.constant 4 : i32
        %mul3A_169 = arith.muli %scan3A_146, %mul3A_168 : i32
        %add3A_170 = arith.constant 3 : i32
        %add3A_171 = arith.addi %mul3A_169, %add3A_170 : i32
        %get3A_172 = arith.index_cast %add3A_171 : i32 to index
        %get3A_173 = tpu.vector_load %arg15[%get3A_172] {strides = array<i32>} : memref<816xf32, #tpu.memory_space<vmem>>, vector<16xf32>,
        %get3A_174 = vector.shape_cast %get3A_173 : vector<16xf32> to vector<16xf32>
        %add3A_175 = arith.addf %add3A_167, %get3A_174 : vector<16xf32>
        %swap3A_176 = arith.index_cast %scan3A_146 : i32 to index
        %swap3A_177 = tpu.vector_load %arg16[%swap3A_176] {strides = array<i32>} : memref<216xf32, #tpu.memory_space<vmem>>, vector<16xf32>,
        %swap3A_178 = vector.shape_cast %swap3A_177 : vector<16xf32> to vector<16xf32>
        %swap3A_179 = vector.shape_cast %add3A_175 : vector<16xf32> to vector<16xf32>
        tpu.vector_store %arg16[%swap3A_176], %swap3A_179 {strides = array<i32>} : memref<216xf32, #tpu.memory_space<vmem>>, vector<16xf32>,
        %scan3A_180 = arith.constant 3 : i32
        %scan3A_181 = arith.addi %scan3A_78, %scan3A_180 : i32
        %mul3A_182 = arith.constant 4 : i32
        %mul3A_183 = arith.muli %scan3A_181, %mul3A_182 : i32
        %get3A_184 = arith.index_cast %mul3A_183 : i32 to index
        %get3A_185 = tpu.vector_load %arg15[%get3A_184] {strides = array<i32>} : memref<816xf32, #tpu.memory_space<vmem>>, vector<16xf32>,
        %get3A_186 = vector.shape_cast %get3A_185 : vector<16xf32> to vector<16xf32>
        %mul3A_187 = arith.constant 4 : i32
        %mul3A_188 = arith.muli %scan3A_181, %mul3A_187 : i32
        %add3A_189 = arith.constant 1 : i32
        %add3A_190 = arith.addi %mul3A_188, %add3A_189 : i32
        %get3A_191 = arith.index_cast %add3A_190 : i32 to index
        %get3A_192 = tpu.vector_load %arg15[%get3A_191] {strides = array<i32>} : memref<816xf32, #tpu.memory_space<vmem>>, vector<16xf32>,
        %get3A_193 = vector.shape_cast %get3A_192 : vector<16xf32> to vector<16xf32>
        %add3A_194 = arith.addf %get3A_186, %get3A_193 : vector<16xf32>
        %mul3A_195 = arith.constant 4 : i32
        %mul3A_196 = arith.muli %scan3A_181, %mul3A_195 : i32
        %add3A_197 = arith.constant 2 : i32
        %add3A_198 = arith.addi %mul3A_196, %add3A_197 : i32
        %get3A_199 = arith.index_cast %add3A_198 : i32 to index
        %get3A_200 = tpu.vector_load %arg15[%get3A_199] {strides = array<i32>} : memref<816xf32, #tpu.memory_space<vmem>>, vector<16xf32>,
        %get3A_201 = vector.shape_cast %get3A_200 : vector<16xf32> to vector<16xf32>
        %add3A_202 = arith.addf %add3A_194, %get3A_201 : vector<16xf32>
        %mul3A_203 = arith.constant 4 : i32
        %mul3A_204 = arith.muli %scan3A_181, %mul3A_203 : i32
        %add3A_205 = arith.constant 3 : i32
        %add3A_206 = arith.addi %mul3A_204, %add3A_205 : i32
        %get3A_207 = arith.index_cast %add3A_206 : i32 to index
        %get3A_208 = tpu.vector_load %arg15[%get3A_207] {strides = array<i32>} : memref<816xf32, #tpu.memory_space<vmem>>, vector<16xf32>,
        %get3A_209 = vector.shape_cast %get3A_208 : vector<16xf32> to vector<16xf32>
        %add3A_210 = arith.addf %add3A_202, %get3A_209 : vector<16xf32>
        %swap3A_211 = arith.index_cast %scan3A_181 : i32 to index
        %swap3A_212 = tpu.vector_load %arg16[%swap3A_211] {strides = array<i32>} : memref<216xf32, #tpu.memory_space<vmem>>, vector<16xf32>,
        %swap3A_213 = vector.shape_cast %swap3A_212 : vector<16xf32> to vector<16xf32>
        %swap3A_214 = vector.shape_cast %add3A_210 : vector<16xf32> to vector<16xf32>
        tpu.vector_store %arg16[%swap3A_211], %swap3A_214 {strides = array<i32>} : memref<216xf32, #tpu.memory_space<vmem>>, vector<16xf32>,
      }
      %scan3A_74 = arith.constant 200 : i32
      %mul3A_75 = arith.constant 200 : i32
      %mul3A_76 = arith.muli %add3A_60, %mul3A_75 : i32
      %add3A_77 = arith.addi %mul3A_2, %mul3A_76 : i32
      "tpu.region"() ({
        %run_scoped3A = tpu.sem_alloc : memref<!tpu.dma_semaphore, #tpu.memory_space<semaphore_mem>>
        %dma_start3A_78 = arith.constant 0 : i32
        %dma_start3A_79 = tpu.memref_slice %arg16[%dma_start3A_78] : memref<216xf32, #tpu.memory_space<vmem>> -> memref<200xf32, #tpu.memory_space<vmem>>
        %dma_start3A_80 = tpu.memref_slice %arg5[%add3A_77] : memref<320000xf32, #tpu.memory_space<hbm>> -> memref<200xf32, #tpu.memory_space<hbm>>
        %dma_start3A_81 = tpu.memref_slice %arg5[%add3A_77] : memref<320000xf32, #tpu.memory_space<hbm>> -> memref<200xf32, #tpu.memory_space<hbm>>
        %dma_start3A_82 = arith.constant 0 : i32
        %dma_start3A_83 = tpu.memref_slice %arg16[%dma_start3A_82] : memref<216xf32, #tpu.memory_space<vmem>> -> memref<200xf32, #tpu.memory_space<vmem>>
        tpu.enqueue_dma source(%dma_start3A_83 : memref<200xf32, #tpu.memory_space<vmem>>) target(%dma_start3A_81 : memref<200xf32, #tpu.memory_space<hbm>>) target_semaphore(%run_scoped3A : memref<!tpu.dma_semaphore, #tpu.memory_space<semaphore_mem>>)
        %dma_wait3A_84 = arith.constant 0 : i32
        %dma_wait3A_85 = tpu.memref_slice %arg16[%dma_wait3A_84] : memref<216xf32, #tpu.memory_space<vmem>> -> memref<200xf32, #tpu.memory_space<vmem>>
        %dma_wait3A_86 = tpu.memref_slice %arg5[%add3A_77] : memref<320000xf32, #tpu.memory_space<hbm>> -> memref<200xf32, #tpu.memory_space<hbm>>
        %dma_wait3A_87 = tpu.memref_slice %arg5[%add3A_77] : memref<320000xf32, #tpu.memory_space<hbm>> -> memref<200xf32, #tpu.memory_space<hbm>>
        %dma_wait3A_88 = arith.constant 0 : i32
        %dma_wait3A_89 = tpu.memref_slice %arg16[%dma_wait3A_88] : memref<216xf32, #tpu.memory_space<vmem>> -> memref<200xf32, #tpu.memory_space<vmem>>
        tpu.wait_dma2 semaphore(%run_scoped3A : memref<!tpu.dma_semaphore, #tpu.memory_space<semaphore_mem>>) src(%dma_wait3A_89 : memref<200xf32, #tpu.memory_space<vmem>>) dst(%dma_wait3A_87 : memref<200xf32, #tpu.memory_space<hbm>>)
        tpu.yield
      }) : () -> ()
    }
    %scan3A_13 = arith.constant 25 : i32
    return
  }
}

module attributes {stable_mosaic.version = 14 : i64} {
  func.func @_mlp_body(%arg0: i32, %arg1: memref<2000x128xf32, #tpu.memory_space<vmem>>, %arg2: memref<128x128xf32, #tpu.memory_space<vmem>>, %arg3: memref<1x128xf32, #tpu.memory_space<vmem>>, %arg4: memref<128x128xf32, #tpu.memory_space<vmem>>, %arg5: memref<1x128xf32, #tpu.memory_space<vmem>>, %arg6: memref<2000x128xbf16, #tpu.memory_space<vmem>>) attributes {dimension_semantics = [#tpu.dimension_semantics<arbitrary>], iteration_bounds = array<i64: 5>, scalar_prefetch = 0 : i64, scratch_operands = 0 : i64, tpu.core_type = #tpu.core_type<tc>, window_params = [{transform_indices = @transform_0, window_bounds = array<i64: 2000, 128>}, {pipeline_mode = #tpu.pipeline_mode<synchronous>, transform_indices = @transform_1, window_bounds = array<i64: 128, 128>}, {pipeline_mode = #tpu.pipeline_mode<synchronous>, transform_indices = @transform_2, window_bounds = array<i64: 1, 128>}, {pipeline_mode = #tpu.pipeline_mode<synchronous>, transform_indices = @transform_3, window_bounds = array<i64: 128, 128>}, {pipeline_mode = #tpu.pipeline_mode<synchronous>, transform_indices = @transform_4, window_bounds = array<i64: 1, 128>}, {transform_indices = @transform_5, window_bounds = array<i64: 2000, 128>}]} {
    %get3A = arith.constant 0 : index
    %get3A_0 = arith.constant 0 : index
    %get3A_1 = vector.load %arg1[%get3A, %get3A_0] : memref<2000x128xf32, #tpu.memory_space<vmem>>, vector<2000x128xf32>
    %get3A_2 = arith.constant 0 : index
    %get3A_3 = arith.constant 0 : index
    %get3A_4 = vector.load %arg2[%get3A_2, %get3A_3] : memref<128x128xf32, #tpu.memory_space<vmem>>, vector<128x128xf32>
    %dot_general3A = arith.constant dense<0.000000e+00> : vector<2000x128xf32>
    %dot_general3A_5 = tpu.matmul %get3A_1, %get3A_4, %dot_general3A {dimension_numbers = #tpu.dot_dimension_numbers<[1], [0], [0], [1], [0, 0, 1, 1], [], []>, transpose_lhs_hint = false} : vector<2000x128xf32>, vector<128x128xf32>, vector<2000x128xf32> -> vector<2000x128xf32>
    %get3A_6 = arith.constant 0 : index
    %get3A_7 = arith.constant 0 : index
    %get3A_8 = vector.load %arg3[%get3A_6, %get3A_7] : memref<1x128xf32, #tpu.memory_space<vmem>>, vector<1x128xf32>
    %add3A = vector.broadcast %get3A_8 : vector<1x128xf32> to vector<2000x128xf32>
    %add3A_9 = arith.addf %dot_general3A_5, %add3A : vector<2000x128xf32>
    %max3A = arith.constant 0.000000e+00 : f32
    %max3A_10 = vector.broadcast %max3A : f32 to vector<2000x128xf32>
    %max3A_11 = arith.maximumf %add3A_9, %max3A_10 : vector<2000x128xf32>
    %get3A_12 = arith.constant 0 : index
    %get3A_13 = arith.constant 0 : index
    %get3A_14 = vector.load %arg4[%get3A_12, %get3A_13] : memref<128x128xf32, #tpu.memory_space<vmem>>, vector<128x128xf32>
    %dot_general3A_15 = arith.constant dense<0.000000e+00> : vector<2000x128xf32>
    %dot_general3A_16 = tpu.matmul %max3A_11, %get3A_14, %dot_general3A_15 {dimension_numbers = #tpu.dot_dimension_numbers<[1], [0], [0], [1], [0, 0, 1, 1], [], []>, transpose_lhs_hint = false} : vector<2000x128xf32>, vector<128x128xf32>, vector<2000x128xf32> -> vector<2000x128xf32>
    %get3A_17 = arith.constant 0 : index
    %get3A_18 = arith.constant 0 : index
    %get3A_19 = vector.load %arg5[%get3A_17, %get3A_18] : memref<1x128xf32, #tpu.memory_space<vmem>>, vector<1x128xf32>
    %add3A_20 = vector.broadcast %get3A_19 : vector<1x128xf32> to vector<2000x128xf32>
    %add3A_21 = arith.addf %dot_general3A_16, %add3A_20 : vector<2000x128xf32>
    %convert_element_type3A = arith.truncf %add3A_21 : vector<2000x128xf32> to vector<2000x128xbf16>
    %swap3A = arith.constant 0 : index
    %swap3A_22 = arith.constant 0 : index
    %swap3A_23 = vector.load %arg6[%swap3A, %swap3A_22] : memref<2000x128xbf16, #tpu.memory_space<vmem>>, vector<2000x128xbf16>
    tpu.vector_store %arg6[%swap3A, %swap3A_22], %convert_element_type3A {strides = array<i32>} : memref<2000x128xbf16, #tpu.memory_space<vmem>>, vector<2000x128xbf16>,
    return
  }
  func.func @transform_0(%arg0: i32) -> (i32, i32) {
    %c0_i32 = arith.constant 0 : i32
    %c0_i32_0 = arith.constant 0 : i32
    return %arg0, %c0_i32 : i32, i32
  }
  func.func @transform_1(%arg0: i32) -> (i32, i32) {
    %c0_i32 = arith.constant 0 : i32
    %c0_i32_0 = arith.constant 0 : i32
    %c0_i32_1 = arith.constant 0 : i32
    return %c0_i32, %c0_i32_0 : i32, i32
  }
  func.func @transform_2(%arg0: i32) -> (i32, i32) {
    %c0_i32 = arith.constant 0 : i32
    %c0_i32_0 = arith.constant 0 : i32
    %c0_i32_1 = arith.constant 0 : i32
    return %c0_i32, %c0_i32_0 : i32, i32
  }
  func.func @transform_3(%arg0: i32) -> (i32, i32) {
    %c0_i32 = arith.constant 0 : i32
    %c0_i32_0 = arith.constant 0 : i32
    %c0_i32_1 = arith.constant 0 : i32
    return %c0_i32, %c0_i32_0 : i32, i32
  }
  func.func @transform_4(%arg0: i32) -> (i32, i32) {
    %c0_i32 = arith.constant 0 : i32
    %c0_i32_0 = arith.constant 0 : i32
    %c0_i32_1 = arith.constant 0 : i32
    return %c0_i32, %c0_i32_0 : i32, i32
  }
  func.func @transform_5(%arg0: i32) -> (i32, i32) {
    %c0_i32 = arith.constant 0 : i32
    %c0_i32_0 = arith.constant 0 : i32
    return %arg0, %c0_i32 : i32, i32
  }
}

</mosaic_0001>

<sc_bundles>
// kernel: kernel.4.cloned.1.call-start
scs
__scs_entry_jumppad:
0x0: {  	(pc) =	sbr.rel $0x88, $3  }
0x1: {  	(tag) =	ssettag $0x0;
	lr =	simm.s32 $0x1  }
0x2: {  	[smem:$0x3F9B] =	sst lr;
	_ =	strace $0xD0000000  }
0x3: {  	_ = 	snop  }
0x4: {  	_ = 	snop  }
0x5: {  	_ = 	snop  }
0x6: {  	_ = 	snop  }
0x7: {  	_ = 	snop  }
__scs_overlays_trampoline_lowered:
0x8: {  	[smem:$0x3FAA] =	sst s0  }
0x9: {  	[smem:$0x3FAB] =	sst s1  }
0xa: {  	[smem:$0x3FAC] =	sst s2  }
0xb: {  	[smem:$0x3FAD] =	sst s3  }
0xc: {  	[smem:$0x3FAE] =	sst s4  }
0xd: {  	[smem:$0x3FAF] =	sst s5  }
0xe: {  	[smem:$0x3FB0] =	sst s6  }
0xf: {  	[smem:$0x3FB1] =	sst s7  }
0x10: {  	[smem:$0x3FB2] =	sst s8  }
0x11: {  	[smem:$0x3FB3] =	sst s9;
	s0 =	simm.s32 @!p0 $0x0  }
0x12: {  	s1 =	sld [smem:$0x3F99];
	s0 =	simm.s32 @p0 $0x1  }
0x13: {  	[smem:$0x3FB4] =	sst s0;
	s0 =	simm.s32 @!p1 $0x0  }
0x14: {  	s2 =	sld [smem:$0x3F98];
	s0 =	simm.s32 @p1 $0x1  }
0x15: {  	[smem:$0x3FB5] =	sst s0;
	s0 =	simm.s32 @!p2 $0x0  }
0x16: {  	s3 =	sld [smem:$0x3FDB];
	s0 =	simm.s32 @p2 $0x1  }
0x17: {  	s4 =	simm.s32 $0x1BF5;
	[smem:$0x3FB7] =	sst s0  }
0x18: {  	s0 =	sld [smem:$0x3F9A];
	_ =	swait.ge [sflag:s4], $0x0  }
0x19: {  	s7 =	sld [smem:$0x3F9B]  }
0x1a: {  	s8 =	sadd.s32 $0xFFFFE003, lr  }
0x1b: {  	s9 =	sadd.s32 $0xFFFFFEF7, lr;
	s5 =	simm.s32 $0xFFFFFFFF;
	p2 =	slt.u32 s8, $0xFFFFF086  }
0x1c: {  	p1 =	slt.u32 s9, $0xF7A;
	s5 =	simm.s32 @!p2 $0x0  }
0x1d: {  	s5 =	simm.s32 @p1 $0x1;
	p0 =	seq.s32 s7, s2  }
0x1e: {  	s7 =	smul.u32 @!p0 $0xF7A, s2;
	p2 =	seq.s32 @!p0 s5, $0x0  }
0x1f: {  	s9 =	smul.u32 $0xF7A, s1;
	s8 =	simm.s32 @!p0 $0x1BF5;
	p2 =	por !p2, p0  }
0x20: {  	[sflag:s8] =	ssyncset.s32 @!p0 $0xFFFFF086;
	s6 =	sadd.s32 @!p0 s3, s7;
	s7 =	simm.s32 @!p0 $0x108  }
0x21: {  	s3 =	sadd.s32 s3, s9;
	s6 =	sadd.s32 @!p0 $0x88, s6;
	s7 =	simm.s32 @p2 $0x1082  }
0x22: {  	[simem:s7], [sflag:s8] =	dma.local @!p0 [hbm:s6], $0xF7A  }
0x23: {  	s9 =	sor.u32 $0xD0000000, s2;
	s6 =	simm.s32 $0x108;
	_ =	swait.ge @!p0 [sflag:s8], $0x0  }
0x24: {  	s3 =	sadd.s32 $0x88, s3;
	s6 =	simm.s32 @!p1 $0x1082;
	[sflag:s4] =	ssyncset.s32 $0xFFFFF086  }
0x25: {  	[simem:s6], [sflag:s4] =	dma.local [hbm:s3], $0xF7A  }
0x26: {  	[smem:$0x3F9B] =	sst s1;
	(tag) =	ssettag s2;
	_ =	strace s9  }
0x27: {  	s1 =	sld [smem:$0x3FAB]  }
0x28: {  	s2 =	sld [smem:$0x3FAC]  }
0x29: {  	s4 =	sld [smem:$0x3FAE]  }
0x2a: {  	p0 =	seq.s32 s5, $0x0;
	s5 =	sld [smem:$0x3FAF]  }
0x2b: {  	s6 =	sld [smem:$0x3FB0]  }
0x2c: {  	s7 =	sld [smem:$0x3FB1]  }
0x2d: {  	s3 =	simm.s32 $0x108;
	s8 =	sld [smem:$0x3FB2]  }
0x2e: {  	s3 =	simm.s32 @!p0 $0x1082;
	s9 =	sld [smem:$0x3FB3]  }
0x2f: {  	lr =	sadd.s32 s0, s3;
	s0 =	sld [smem:$0x3FAA]  }
0x30: {  	s3 =	sld [smem:$0x3FAD]  }
0x31: {  	[smem:$0x3FB6] =	sst s10  }
0x32: {  	s10 =	sld [smem:$0x3FB4];
	_ =	sdelay $0x3  }
0x33: {  	p0 =	seq.s32 s10, $0x1;
	s10 =	sld [smem:$0x3FB6];
	_ =	sdelay $0x3  }
0x34: {  	[smem:$0x3FB6] =	sst s10  }
0x35: {  	s10 =	sld [smem:$0x3FB5];
	_ =	sdelay $0x3  }
0x36: {  	p1 =	seq.s32 s10, $0x1;
	s10 =	sld [smem:$0x3FB6];
	_ =	sdelay $0x3  }
0x37: {  	[smem:$0x3FB6] =	sst s10  }
0x38: {  	s10 =	sld [smem:$0x3FB7]  }
0x39: {  	_ = 	snop;
	(pc) =	sbr.ind lr, $3  }
0x3a: {  	_ = 	snop  }
0x3b: {  	_ = 	snop  }
0x3c: {  	p2 =	seq.s32 s10, $0x1;
	s10 =	sld [smem:$0x3FB6]  }
0x3d: {  	_ =	shalt  }
0x3e: {  	_ =	shalt  }
0x3f: {  	_ =	shalt  }
0x40: {  	_ =	shalt  }
0x41: {  	_ =	shalt  }
0x42: {  	_ =	shalt  }
0x43: {  	_ =	shalt  }
0x44: {  	_ =	shalt  }
0x45: {  	_ =	shalt  }
0x46: {  	_ =	shalt  }
0x47: {  	_ =	shalt  }
0x48: {  	_ =	shalt  }
0x49: {  	_ =	shalt  }
0x4a: {  	_ =	shalt  }
0x4b: {  	_ =	shalt  }
0x4c: {  	_ =	shalt  }
0x4d: {  	_ =	shalt  }
0x4e: {  	_ =	shalt  }
0x4f: {  	_ =	shalt  }
0x50: {  	_ =	shalt  }
0x51: {  	_ =	shalt  }
0x52: {  	_ =	shalt  }
0x53: {  	_ =	shalt  }
0x54: {  	_ =	shalt  }
0x55: {  	_ =	shalt  }
0x56: {  	_ =	shalt  }
0x57: {  	_ =	shalt  }
0x58: {  	_ =	shalt  }
0x59: {  	_ =	shalt  }
0x5a: {  	_ =	shalt  }
0x5b: {  	_ =	shalt  }
0x5c: {  	_ =	shalt  }
0x5d: {  	_ =	shalt  }
0x5e: {  	_ =	shalt  }
0x5f: {  	_ =	shalt  }
0x60: {  	_ =	shalt  }
0x61: {  	_ =	shalt  }
0x62: {  	_ =	shalt  }
0x63: {  	_ =	shalt  }
0x64: {  	_ =	shalt  }
0x65: {  	_ =	shalt  }
0x66: {  	_ =	shalt  }
0x67: {  	_ =	shalt  }
0x68: {  	_ =	shalt  }
0x69: {  	_ =	shalt  }
0x6a: {  	_ =	shalt  }
0x6b: {  	_ =	shalt  }
0x6c: {  	_ =	shalt  }
0x6d: {  	_ =	shalt  }
0x6e: {  	_ =	shalt  }
0x6f: {  	_ =	shalt  }
0x70: {  	_ =	shalt  }
0x71: {  	_ =	shalt  }
0x72: {  	_ =	shalt  }
0x73: {  	_ =	shalt  }
0x74: {  	_ =	shalt  }
0x75: {  	_ =	shalt  }
0x76: {  	_ =	shalt  }
0x77: {  	_ =	shalt  }
0x78: {  	_ =	shalt  }
0x79: {  	_ =	shalt  }
0x7a: {  	_ =	shalt  }
0x7b: {  	_ =	shalt  }
0x7c: {  	_ =	shalt  }
0x7d: {  	_ =	shalt  }
0x7e: {  	_ =	shalt  }
0x7f: {  	_ =	shalt  }
0x80: {  	_ =	shalt  }
0x81: {  	_ =	shalt  }
0x82: {  	_ =	shalt  }
0x83: {  	_ =	shalt  }
0x84: {  	_ =	shalt  }
0x85: {  	_ =	shalt  }
0x86: {  	_ =	shalt  }
0x87: {  	_ =	shalt  }
.Lfunc_end0:
.L_simem_size_0:
called_computation_lowered:
.L_overlay_start_0:
0x88: {  	s2 =	sld [smem:$0x3FD9]  }
0x89: {  	s3 =	sld [smem:$0x3FFE];
	_ =	sdelay $0x1  }
0x8a: {  	s1 =	srdreg.scid  }
0x8b: {  	s0 =	sand.u32 $0x1, s1  }
0x8c: {  	s16 =	sshll.u32 s0, $0xA;
	s2 =	sadd.s32 s3, s2  }
0x8d: {  	s2 =	sadd.s32 s2, s16  }
0x8e: {  	[smem:$0x3FC2] =	sst s2  }
0x8f: {  	_ = 	snop  }
0x90: {  	(tm) =	ssettm $0x1  }
0x91: {  	s17 =	sld [smem:$0x3FFB];
	_ =	sdelay $0x3  }
0x92: {  	_ =	strace s17  }
0x93: {  	s2 =	sld [smem:$0x3FFC];
	_ =	sdelay $0x3  }
0x94: {  	_ =	strace s2  }
0x95: {  	s2 =	sld [smem:$0x3FFD];
	_ =	sdelay $0x3  }
0x96: {  	_ =	strace s2  }
0x97: {  	_ =	strace $0x8FFFFFFF  }
0x98: {  	s18 =	sld [smem:$0x3FDB];
	_ =	sdelay $0x1  }
0x99: {  	s19 =	simm.s32 $_scs_section_size  }
0x9a: {  	s4 =	simm.s32 $_size__tile_overlayer_lowered;
	s5 =	simm.s32 $_tile_overlayer_lowered  }
0x9b: {  	s22 =	simm.s32 $0x1BFF;
	s21 =	sshll.u32 s5, $0x1;
	s2 =	sadd.s32 s19, s18  }
0x9c: {  	s6 =	simm.s32 $0x0;
	s20 =	sshll.u32 s4, $0x1;
	s4 =	sadd.s32 s21, s2  }
0x9d: {  	[timem:s6], [sflag:s22] =	dma.local [hbm:s4], s20  }
0x9e: {  	_ =	swait.ge [sflag:s22], s20  }
0x9f: {  	s3 =	ssub.s32 $0x0, s20;
	[sflag:s22] =	ssyncset.done $0x0  }
0xa0: {  	[sflag:s22] =	ssyncadd.s32 s3;
	_ =	sdelay $0x1  }
0xa1: {  	s23 =	simm.s32 $0x1B8B  }
0xa2: {  	_ =	swait.ge [sflag:s23], $0x1  }
0xa3: {  	[sflag:s23] =	ssyncset.done $0x0  }
0xa4: {  	s25 =	simm.s32 $0x1B8E;
	s24 =	sld [smem:$0x3FFE];
	[sflag:s23] =	ssyncadd.s32 $0xFFFFFFFF  }
0xa5: {  	s26 =	simm.s32 $execute0_lowered;
	[smem:$0x3FD2] =	sst s25  }
0xa6: {  	s4 =	sshll.u32 s26, $0x1;
	_ =	strace $0x80000046;
	[dreg:$0x1] =	wrdreg $0xFFFFFFFF  }
0xa7: {  	s28 =	simm.s32 $_size_execute0_lowered;
	s2 =	sadd.s32 s2, s4;
	[dreg:$0x0] =	wrdreg $0x0  }
0xa8: {  	s4 =	sshll.u32 s28, $0x1;
	[dreg:$0x2] =	wrdreg s2  }
0xa9: {  	[dreg:$0x3] =	wrdreg s4  }
0xaa: {  	[dreg:$0x4] =	wrdreg $0xC0  }
0xab: {  	_ =	task [dreg:s6], $0x5FFFF  }
0xac: {  	[dreg:$0x1] =	wrdreg $0xFFFFFFFF  }
0xad: {  	[dreg:$0x0] =	wrdreg $0x60  }
0xae: {  	[dreg:$0x2] =	wrdreg s24  }
0xaf: {  	[dreg:$0x3] =	wrdreg $0x9  }
0xb0: {  	_ =	task.clear_ibuf [dreg:s6], $0x4FFFF;
	_ =	strace $0x90000046  }
0xb1: {  	s29 =	simm.s32 $0x9;
	_ =	strace $0x80000048  }
0xb2: {  	_ =	swait.ge [sflag:s29], $0x1  }
0xb3: {  	[sflag:s29] =	ssyncadd.s32 $0xFFFFFFFF  }
0xb4: {  	_ =	strace $0x90000048  }
0xb5: {  	_ =	sfence  }
0xb6: {  	s30 =	sld [smem:$0x0];
	_ =	sdelay $0x2  }
0xb7: {  	s31 =	sshll.u32 s1, $0xD;
	s1 =	sshrl.u32 s1, $0x2  }
0xb8: {  	s3 =	sand.u32 $0x4000, s31;
	s1 =	sadd.s32 s1, s30  }
0xb9: {  	s0 =	sor.u32 s3, s0;
	s1 =	sshll.u32 s1, $0x11  }
0xba: {  	s0 =	sor.u32 s1, s0  }
0xbb: {  	s0 =	sadd.s32 $0x8F2B, s0  }
0xbc: {  	[sflag:s0] =	ssyncadd.remote.s32 $0x1  }
0xbd: {  	_ =	sfence.sel $0xFFFF  }
0xbe: {  	[dreg:$0x0] =	wrdreg $0xFFFFFFFF;
	(pc) =	sbr.abs _section_cstart, $3  }
0xbf: {  	[dreg:$0x1] =	wrdreg $0xFFFFFFFF  }
0xc0: {  	_ =	task.clear_ibuf [dreg:s6], $0x2FFFF;
	_ =	strace $0x9FFFFFFF  }
0xc1: {  	(tm) =	ssettm $0x7FFFFFFF  }
tec
execute0_lowered:
.L_overlay_start_1:
0x0: {  	(tag) =	ssettag $0x1  }
0x1: {  	s0 =	rddreg [dreg:$0x0]  }
0x2: {  	s2 =	simm.s32 $0x0;
	s1 =	srdreg.scid;
	s3 =	stileid.u32  }
0x3: {  	s13 =	simm.s32 $0x3;
	s15 =	simm.s32 $0xC8;
	s18 =	simm.s32 $0x100  }
0x4: {  	s19 =	simm.s32 $0x300;
	s20 =	simm.s32 $0x6800;
	s21 =	simm.s32 $0x13000  }
0x5: {  	s22 =	simm.s32 $0x1;
	s23 =	simm.s32 $0x2;
	s24 =	simm.s32 $0x1A480  }
0x6: {  	s25 =	simm.s32 $0x0;
	s1 =	sand.u32 $0x1, s1;
	s3 =	sshll.u32 s3, $0x1  }
0x7: {  	[smem:$0x7FF] =	sst s2;
	s5 =	sadd.s32 $0xA000, s0;
	s4 =	sor.u32 s1, s3  }
0x8: {  	s6 =	sadd.s32 $0x200, s0;
	s1 =	ssub.s32 $0x2, s1;
	s4 =	smul.u32 $0x2710, s4  }
0x9: {  	s7 =	sadd.s32 $0x3B000, s0;
	_ =	strace $0x80000047;
	s8 =	sshrl.u32 s1, $0x1  }
0xa: {  	s3 =	sadd.s32 $0x13E00, s0;
	s29 =	ssub.s32 s1, s8;
	s30 =	sshrl.u32 s4, $0x3  }
0xb: {  	s10 =	sadd.s32 $0xC8, s4;
	s11 =	sadd.s32 $0x190, s4;
	s31 =	sadd.s32 s5, s30  }
0xc: {  	s12 =	smax.u32 s29, $0x1;
	s9 =	sadd.s32 s6, s30;
	[dreg:$0x2] =	wrdreg s31  }
.LBB2_1:
0xd: {  	s0 =	rddreg [dreg:$0x2]  }
0xe: {  	[tilespmem:s2], [sflag:$0x3] =	stream.linear.gather [hbm4b:s0+s2], $0xC8, $0x38;
	[tilespmem:$0x1A580] =	vst v63  }
0xf: {  	_ =	swait.ge [sflag:s13], $0xC8  }
0x10: {  	[sflag:s13] =	ssyncset.done $0x0  }
0x11: {  	s30 =	simm.s32 $0x200;
	[sflag:s13] =	ssyncadd.s32 $0xFFFFFF38  }
0x12: {  	[tilespmem:s30], [sflag:$0x3] =	stream.linear.gather [hbm4b:s9+s2], $0xC8, $0x38;
	[tilespmem:$0x1A580] =	vst v63  }
0x13: {  	_ =	swait.ge [sflag:s13], $0xC8  }
0x14: {  	[sflag:s13] =	ssyncset.done $0x0  }
0x15: {  	s1 =	simm.s32 $0x400;
	[sflag:s13] =	ssyncadd.s32 $0xFFFFFF38  }
0x16: {  	[tilespmem:s1], [sflag:$0x1] =	stream.indirect.gather [hbm4b:s3+s15], $0x80, s2, s15, $0xb8;
	[tilespmem:$0x1A580] =	vst v63  }
0x17: {  	s31 =	simm.s32 $0xCC00;
	s26 =	simm.s32 $0x0  }
0x18: {  	[tilespmem:s31], [sflag:$0x2] =	stream.indirect.gather [hbm4b:s3+s15], $0x80, s30, s15, $0xb8;
	[tilespmem:$0x1A580] =	vst v63  }
.LBB2_2:
0x19: {  	s29 =	smul.u32 $0x190, s26;
	_ =	sdelay $0x1  }
0x1a: {  	s0 =	sadd.s32 s29, s10  }
0x1b: {  	s28 =	sshrl.u32 s0, $0x3  }
0x1c: {  	s0 =	sadd.s32 s5, s28  }
0x1d: {  	[tilespmem:s18], [sflag:$0x3] =	stream.linear.gather [hbm4b:s0+s2], $0xC8, $0x38;
	[tilespmem:$0x1A580] =	vst v63  }
0x1e: {  	_ =	swait.ge [sflag:s13], $0xC8  }
0x1f: {  	[sflag:s13] =	ssyncset.done $0x0  }
0x20: {  	s14 =	sadd.s32 s6, s28;
	[sflag:s13] =	ssyncadd.s32 $0xFFFFFF38  }
0x21: {  	[tilespmem:s19], [sflag:$0x3] =	stream.linear.gather [hbm4b:s14+s2], $0xC8, $0x38;
	[tilespmem:$0x1A580] =	vst v63  }
0x22: {  	_ =	swait.ge [sflag:s13], $0xC8  }
0x23: {  	[sflag:s13] =	ssyncset.done $0x0  }
0x24: {  	[sflag:s13] =	ssyncadd.s32 $0xFFFFFF38  }
0x25: {  	[tilespmem:s20], [sflag:$0x1] =	stream.indirect.gather [hbm4b:s3+s15], $0x80, s18, s15, $0xb8;
	[tilespmem:$0x1A580] =	vst v63  }
0x26: {  	_ = 	snop  }
0x27: {  	[tilespmem:s21], [sflag:$0x2] =	stream.indirect.gather [hbm4b:s3+s15], $0x80, s19, s15, $0xb8;
	[tilespmem:$0x1A580] =	vst v63  }
0x28: {  	_ =	swait.ge [sflag:s22], $0x6400  }
0x29: {  	[sflag:s22] =	ssyncset.done $0x0  }
0x2a: {  	[sflag:s22] =	ssyncadd.s32 $0xFFFF9C00  }
0x2b: {  	_ =	swait.ge [sflag:s23], $0x6400  }
0x2c: {  	[sflag:s23] =	ssyncset.done $0x0  }
0x2d: {  	s1 =	simm.s32 $0x500;
	[sflag:s23] =	ssyncadd.s32 $0xFFFF9C00  }
0x2e: {  	s16 =	simm.s32 $0xCD00;
	v0 =	vld [tilespmem:s1+$0xB0]  }
0x2f: {  	v1 =	vld [tilespmem:s16+$0xB0]  }
0x30: {  	v2 =	vld [tilespmem:s1+$0xA0]  }
0x31: {  	v3 =	vld [tilespmem:s16+$0xA0]  }
0x32: {  	v4 =	vld [tilespmem:s1+$0x90]  }
0x33: {  	v5 =	vld [tilespmem:s1+$0x80]  }
0x34: {  	v6 =	vld [tilespmem:s16+$0x80];
	_ =	sdelay $0x1  }
0x35: {  	v17 =	vld [tilespmem:s1+$0x10]  }
0x36: {  	v22 =	vld [tilespmem:s16+$0xFFFFFFA0];
	v8 =	vshll.u32 v2, $0x10;
	v9 =	vshll.u32 v0, $0x10  }
0x37: {  	v23 =	vld [tilespmem:s1+$0x20];
	v10 =	vshll.u32 v1, $0x10;
	v11 =	vshll.u32 v5, $0x10;
	v12 =	vshll.u32 v4, $0x10  }
0x38: {  	v7 =	vld [tilespmem:s16+$0x90];
	v13 =	vshll.u32 v3, $0x10;
	v14 =	vshll.u32 v6, $0x10;
	v5 =	vand.u32 $0xFFFF0000, v5  }
0x39: {  	v6 =	vand.u32 $0xFFFF0000, v6;
	v4 =	vand.u32 $0xFFFF0000, v4;
	v2 =	vand.u32 $0xFFFF0000, v2  }
0x3a: {  	v3 =	vand.u32 $0xFFFF0000, v3;
	v0 =	vand.u32 $0xFFFF0000, v0;
	v1 =	vand.u32 $0xFFFF0000, v1  }
0x3b: {  	v15 =	vld [tilespmem:s1+$0xFFFFFF00];
	v20 =	vshll.u32 v17, $0x10;
	v17 =	vand.u32 $0xFFFF0000, v17;
	v24 =	vshll.u32 v22, $0x10  }
0x3c: {  	v22 =	vand.u32 $0xFFFF0000, v22;
	v26 =	vshll.u32 v23, $0x10;
	v11 =	vmul.f32 v14, v11  }
0x3d: {  	v14 =	vld [tilespmem:s16+$0xFFFFFF00];
	v5 =	vmul.f32 v6, v5;
	v6 =	vshll.u32 v7, $0x10;
	v7 =	vand.u32 $0xFFFF0000, v7  }
0x3e: {  	v23 =	vand.u32 $0xFFFF0000, v23;
	v8 =	vmul.f32 v13, v8;
	v4 =	vmul.f32 v7, v4;
	v7 =	vld [tilespmem:s16+$0xFFFFFF80]  }
0x3f: {  	v6 =	vmul.f32 v6, v12;
	v11 =	vadd.f32 $0.0e+00, v11;
	v5 =	vadd.f32 $0.0e+00, v5  }
0x40: {  	v2 =	vmul.f32 v3, v2;
	v0 =	vmul.f32 v1, v0;
	v1 =	vshll.u32 v15, $0x10;
	v12 =	vld [tilespmem:s1+$0xFFFFFF80]  }
0x41: {  	v3 =	vld [tilespmem:s16+$0x0];
	v6 =	vadd.f32 v6, v11;
	v4 =	vadd.f32 v4, v5;
	v5 =	vmul.f32 v10, v9  }
0x42: {  	v11 =	vld [tilespmem:s1+$0x0];
	v10 =	vand.u32 $0xFFFF0000, v15;
	v9 =	vshll.u32 v14, $0x10;
	v13 =	vand.u32 $0xFFFF0000, v14  }
0x43: {  	v14 =	vld [tilespmem:s1+$0xFFFFFF90];
	v6 =	vadd.f32 v8, v6;
	v2 =	vadd.f32 v2, v4;
	v16 =	vshll.u32 v7, $0x10  }
0x44: {  	v8 =	vld [tilespmem:s1+$0xFFFFFF10];
	v7 =	vand.u32 $0xFFFF0000, v7;
	v1 =	vmul.f32 v9, v1;
	v9 =	vmul.f32 v13, v10  }
0x45: {  	v4 =	vld [tilespmem:s16+$0xFFFFFF10];
	v5 =	vadd.f32 v5, v6;
	v0 =	vadd.f32 v0, v2;
	v6 =	vshll.u32 v12, $0x10  }
0x46: {  	v12 =	vand.u32 $0xFFFF0000, v12;
	v1 =	vadd.f32 $0.0e+00, v1;
	v9 =	vadd.f32 $0.0e+00, v9  }
0x47: {  	v15 =	vld [tilespmem:s16+$0xFFFFFF90];
	v18 =	vshll.u32 v11, $0x10;
	v11 =	vand.u32 $0xFFFF0000, v11;
	v6 =	vmul.f32 v16, v6  }
0x48: {  	v7 =	vmul.f32 v7, v12;
	v2 =	vadd.f32 v0, v5;
	v0 =	vshll.u32 v3, $0x10  }
0x49: {  	v3 =	vand.u32 $0xFFFF0000, v3;
	v16 =	vshll.u32 v14, $0x10;
	v14 =	vand.u32 $0xFFFF0000, v14  }
0x4a: {  	v12 =	vld [tilespmem:s1+$0xFFFFFF20];
	v10 =	vshll.u32 v8, $0x10;
	v13 =	vshll.u32 v4, $0x10;
	v8 =	vand.u32 $0xFFFF0000, v8  }
0x4b: {  	v0 =	vmul.f32 v0, v18;
	v3 =	vmul.f32 v3, v11;
	v4 =	vand.u32 $0xFFFF0000, v4  }
0x4c: {  	v5 =	vld [tilespmem:s16+$0x10];
	v18 =	vshll.u32 v15, $0x10;
	v15 =	vand.u32 $0xFFFF0000, v15;
	v6 =	vadd.f32 $0.0e+00, v6  }
0x4d: {  	v11 =	vld [tilespmem:s16+$0xFFFFFF20];
	v7 =	vadd.f32 $0.0e+00, v7;
	v10 =	vmul.f32 v13, v10;
	v4 =	vmul.f32 v4, v8  }
0x4e: {  	v19 =	vld [tilespmem:s1+$0xFFFFFFA0];
	v13 =	vmul.f32 v18, v16;
	v14 =	vmul.f32 v15, v14;
	v0 =	vadd.f32 $0.0e+00, v0  }
0x4f: {  	v8 =	vld [tilespmem:s16+$0x20];
	v3 =	vadd.f32 $0.0e+00, v3;
	v16 =	vshll.u32 v12, $0x10;
	v1 =	vadd.f32 v10, v1  }
0x50: {  	v25 =	vld [tilespmem:s1+$0xFFFFFFB0];
	v12 =	vand.u32 $0xFFFF0000, v12;
	v4 =	vadd.f32 v4, v9;
	v6 =	vadd.f32 v13, v6  }
0x51: {  	v28 =	vld [tilespmem:s16+$0xFFFFFFB0];
	v7 =	vadd.f32 v14, v7;
	v21 =	vshll.u32 v5, $0x10;
	v5 =	vand.u32 $0xFFFF0000, v5  }
0x52: {  	v15 =	vmul.f32 v21, v20;
	v18 =	vshll.u32 v11, $0x10;
	v5 =	vmul.f32 v5, v17  }
0x53: {  	v11 =	vand.u32 $0xFFFF0000, v11;
	v21 =	vshll.u32 v19, $0x10;
	v19 =	vand.u32 $0xFFFF0000, v19  }
0x54: {  	v10 =	vld [tilespmem:s1+$0x30];
	v27 =	vshll.u32 v8, $0x10;
	v9 =	vmul.f32 v18, v16;
	v11 =	vmul.f32 v11, v12  }
0x55: {  	v20 =	vld [tilespmem:s1+$0xFFFFFF30];
	v8 =	vand.u32 $0xFFFF0000, v8;
	v13 =	vmul.f32 v24, v21;
	v14 =	vmul.f32 v22, v19  }
0x56: {  	v17 =	vld [tilespmem:s16+$0xFFFFFF30];
	v19 =	vshll.u32 v25, $0x10;
	v21 =	vand.u32 $0xFFFF0000, v25;
	v22 =	vand.u32 $0xFFFF0000, v28  }
0x57: {  	v0 =	vadd.f32 v15, v0;
	v3 =	vadd.f32 v5, v3;
	v15 =	vmul.f32 v27, v26  }
0x58: {  	v12 =	vld [tilespmem:s16+$0x30];
	v8 =	vmul.f32 v8, v23;
	v1 =	vadd.f32 v9, v1;
	v4 =	vadd.f32 v11, v4  }
0x59: {  	s0 =	simm.s32 $0xCF00;
	v23 =	vshll.u32 v10, $0x10;
	v6 =	vadd.f32 v13, v6;
	v7 =	vadd.f32 v14, v7  }
0x5a: {  	s17 =	simm.s32 $0x700;
	v27 =	vld [tilespmem:s0+$0xFFFFFFA0];
	v10 =	vand.u32 $0xFFFF0000, v10;
	v0 =	vadd.f32 v15, v0;
	v3 =	vadd.f32 v8, v3  }
0x5b: {  	v24 =	vld [tilespmem:s17+$0xB0];
	v15 =	vmul.f32 v22, v21;
	v5 =	vshll.u32 v20, $0x10;
	v16 =	vshll.u32 v17, $0x10  }
0x5c: {  	v13 =	vld [tilespmem:s0+$0xA0];
	v18 =	vand.u32 $0xFFFF0000, v20;
	v17 =	vand.u32 $0xFFFF0000, v17;
	v20 =	vshll.u32 v28, $0x10  }
0x5d: {  	v8 =	vld [tilespmem:s17+$0x90];
	v25 =	vshll.u32 v12, $0x10;
	v12 =	vand.u32 $0xFFFF0000, v12;
	v5 =	vmul.f32 v16, v5  }
0x5e: {  	v26 =	vld [tilespmem:s0+$0xB0];
	v11 =	vmul.f32 v17, v18;
	v14 =	vmul.f32 v20, v19;
	v7 =	vadd.f32 v15, v7  }
0x5f: {  	v9 =	vld [tilespmem:s17+$0xA0];
	v10 =	vmul.f32 v12, v10;
	v32 =	vshll.u32 v27, $0x10;
	v27 =	vand.u32 $0xFFFF0000, v27  }
0x60: {  	v16 =	vld [tilespmem:s17+$0x80];
	v1 =	vadd.f32 v5, v1;
	v5 =	vmul.f32 v25, v23;
	v4 =	vadd.f32 v11, v4  }
0x61: {  	v6 =	vadd.f32 v14, v6;
	v14 =	vshll.u32 v13, $0x10;
	v13 =	vand.u32 $0xFFFF0000, v13  }
0x62: {  	v11 =	vld [tilespmem:s0+$0x80];
	v12 =	vshll.u32 v8, $0x10;
	v0 =	vadd.f32 v5, v0;
	v18 =	vadd.f32 v4, v1  }
0x63: {  	v8 =	vand.u32 $0xFFFF0000, v8;
	v5 =	vld [tilespmem:s0+$0x90];
	v1 =	vadd.f32 v10, v3;
	v3 =	vadd.f32 v7, v6  }
0x64: {  	v30 =	vld [tilespmem:s17+$0xFFFFFF30];
	v4 =	vshll.u32 v9, $0x10;
	v6 =	vshll.u32 v24, $0x10;
	v7 =	vshll.u32 v26, $0x10  }
0x65: {  	v35 =	vld [tilespmem:s17+$0xFFFFFFB0];
	v9 =	vand.u32 $0xFFFF0000, v9;
	v10 =	vshll.u32 v16, $0x10;
	v16 =	vand.u32 $0xFFFF0000, v16  }
0x66: {  	v23 =	vld [tilespmem:s0+$0x10];
	v4 =	vmul.f32 v14, v4;
	v9 =	vmul.f32 v13, v9;
	v13 =	vand.u32 $0xFFFF0000, v26  }
0x67: {  	v25 =	vld [tilespmem:s17+$0xFFFFFFA0];
	v6 =	vmul.f32 v7, v6;
	v15 =	vshll.u32 v11, $0x10;
	v11 =	vand.u32 $0xFFFF0000, v11  }
0x68: {  	s31 =	simm.s32 $0x19420;
	v14 =	vld [tilespmem:s0+$0xFFFFFF80];
	v10 =	vmul.f32 v15, v10;
	v11 =	vmul.f32 v11, v16;
	v15 =	vshll.u32 v5, $0x10  }
0x69: {  	[tilespmem:s31+$0xFFFFFFE0] =	vst v18;
	v18 =	vand.u32 $0xFFFF0000, v30;
	v5 =	vand.u32 $0xFFFF0000, v5;
	v12 =	vmul.f32 v15, v12  }
0x6a: {  	v16 =	vld [tilespmem:s0+$0xFFFFFF00];
	v10 =	vadd.f32 $0.0e+00, v10;
	v11 =	vadd.f32 $0.0e+00, v11;
	v5 =	vmul.f32 v5, v8  }
0x6b: {  	[tilespmem:s31+$0xFFFFFFF0] =	vst v3;
	v3 =	vand.u32 $0xFFFF0000, v35;
	v26 =	vshll.u32 v23, $0x10;
	v23 =	vand.u32 $0xFFFF0000, v23;
	v15 =	vld [tilespmem:s17+$0xFFFFFF00]  }
0x6c: {  	v31 =	vshll.u32 v25, $0x10;
	v8 =	vld [tilespmem:s17+$0xFFFFFF80];
	v10 =	vadd.f32 v12, v10;
	v5 =	vadd.f32 v5, v11  }
0x6d: {  	v17 =	vld [tilespmem:s0+$0xFFFFFF10];
	v25 =	vand.u32 $0xFFFF0000, v25;
	v19 =	vshll.u32 v14, $0x10;
	v14 =	vand.u32 $0xFFFF0000, v14  }
0x6e: {  	v11 =	vld [tilespmem:s17+$0x0];
	v12 =	vand.u32 $0xFFFF0000, v24;
	v4 =	vadd.f32 v4, v10;
	v5 =	vadd.f32 v9, v5  }
0x6f: {  	v20 =	vld [tilespmem:s0+$0xFFFFFF90];
	v9 =	vmul.f32 v13, v12;
	v13 =	vshll.u32 v16, $0x10;
	v16 =	vand.u32 $0xFFFF0000, v16  }
0x70: {  	v7 =	vld [tilespmem:s0+$0x0];
	v12 =	vshll.u32 v15, $0x10;
	v15 =	vand.u32 $0xFFFF0000, v15;
	v4 =	vadd.f32 v6, v4  }
0x71: {  	v5 =	vadd.f32 v9, v5;
	v9 =	vshll.u32 v8, $0x10;
	v8 =	vand.u32 $0xFFFF0000, v8  }
0x72: {  	v10 =	vld [tilespmem:s17+$0xFFFFFF10];
	v12 =	vmul.f32 v13, v12;
	v13 =	vmul.f32 v16, v15;
	v16 =	vshll.u32 v17, $0x10  }
0x73: {  	v21 =	vshll.u32 v11, $0x10;
	v11 =	vand.u32 $0xFFFF0000, v11;
	v9 =	vmul.f32 v19, v9  }
0x74: {  	v37 =	vld [tilespmem:s0+$0xFFFFFFB0];
	v8 =	vmul.f32 v14, v8;
	v14 =	vand.u32 $0xFFFF0000, v17;
	v19 =	vshll.u32 v20, $0x10  }
0x75: {  	v6 =	vld [tilespmem:s17+$0xFFFFFF90];
	v20 =	vand.u32 $0xFFFF0000, v20;
	v22 =	vadd.f32 v5, v4;
	v5 =	vshll.u32 v7, $0x10  }
0x76: {  	v7 =	vand.u32 $0xFFFF0000, v7;
	v12 =	vadd.f32 $0.0e+00, v12;
	v13 =	vadd.f32 $0.0e+00, v13  }
0x77: {  	v4 =	vld [tilespmem:s17+$0x10];
	v15 =	vshll.u32 v10, $0x10;
	v10 =	vand.u32 $0xFFFF0000, v10;
	v5 =	vmul.f32 v5, v21  }
0x78: {  	s16 =	simm.s32 $0x19460;
	v7 =	vmul.f32 v7, v11;
	v11 =	vld [tilespmem:s17+$0xFFFFFF20];
	v9 =	vadd.f32 $0.0e+00, v9;
	v8 =	vadd.f32 $0.0e+00, v8  }
0x79: {  	v21 =	vld [tilespmem:s0+$0xFFFFFF20];
	v15 =	vmul.f32 v16, v15;
	v10 =	vmul.f32 v14, v10;
	[tilespmem:s16+$0x10] =	vst v22;
	v22 =	vand.u32 $0xFFFF0000, v37  }
0x7a: {  	v17 =	vshll.u32 v6, $0x10;
	v6 =	vand.u32 $0xFFFF0000, v6;
	v63 =	vadd.f32 $0.0e+00, v7  }
0x7b: {  	v16 =	vld [tilespmem:s17+$0x20];
	v17 =	vmul.f32 v19, v17;
	v19 =	vadd.f32 $0.0e+00, v5;
	v20 =	vmul.f32 v20, v6  }
0x7c: {  	v14 =	vld [tilespmem:s0+$0x20];
	v5 =	vadd.f32 v15, v12;
	v6 =	vadd.f32 v10, v13;
	v13 =	vmul.f32 v32, v31  }
0x7d: {  	v15 =	vmul.f32 v27, v25;
	v24 =	vshll.u32 v4, $0x10;
	v4 =	vand.u32 $0xFFFF0000, v4  }
0x7e: {  	v7 =	vshll.u32 v11, $0x10;
	v24 =	vmul.f32 v26, v24;
	v26 =	vshll.u32 v21, $0x10  }
0x7f: {  	v33 =	vld [tilespmem:s0+$0xFFFFFF30];
	v29 =	vand.u32 $0xFFFF0000, v11;
	v23 =	vmul.f32 v23, v4;
	v21 =	vand.u32 $0xFFFF0000, v21  }
0x80: {  	v4 =	vld [tilespmem:s17+$0x30];
	v8 =	vadd.f32 v20, v8;
	v20 =	vshll.u32 v35, $0x10;
	v34 =	vshll.u32 v16, $0x10  }
0x81: {  	[tilespmem:s31+$0x10] =	vst v2;
	v2 =	vld [tilespmem:s0+$0x30];
	v36 =	vshll.u32 v14, $0x10;
	v16 =	vand.u32 $0xFFFF0000, v16;
	v38 =	vand.u32 $0xFFFF0000, v14  }
0x82: {  	v11 =	vmul.f32 v26, v7;
	v12 =	vmul.f32 v21, v29;
	v7 =	vadd.f32 v17, v9  }
0x83: {  	v17 =	vshll.u32 v30, $0x10;
	v9 =	vadd.f32 v24, v19;
	v10 =	vadd.f32 v23, v63  }
0x84: {  	s30 =	simm.s32 $0x1A108;
	s8 =	simm.s32 $0x900;
	v14 =	vmul.f32 v36, v34;
	v19 =	vshll.u32 v33, $0x10;
	v16 =	vmul.f32 v38, v16  }
0x85: {  	s14 =	simm.s32 $0x4;
	s1 =	simm.s32 $0x0;
	s17 =	simm.s32 $0x19420;
	v24 =	vand.u32 $0xFFFF0000, v33;
	v23 =	vshll.u32 v37, $0x10;
	v21 =	vshll.u32 v4, $0x10  }
.LBB2_3:
0x86: {  	v25 =	vld [tilespmem:s8+$0xB0];
	v26 =	vshll.u32 v2, $0x10;
	v4 =	vand.u32 $0xFFFF0000, v4;
	v2 =	vand.u32 $0xFFFF0000, v2;
	s0 =	sadd.s32 $0x200, s0  }
0x87: {  	v5 =	vadd.f32 v11, v5;
	v6 =	vadd.f32 v12, v6;
	v11 =	vmul.f32 v19, v17;
	v27 =	vld [tilespmem:s0+$0xB0]  }
0x88: {  	v17 =	vmul.f32 v24, v18;
	v7 =	vadd.f32 v13, v7;
	v8 =	vadd.f32 v15, v8;
	v12 =	vld [tilespmem:s8+$0xA0]  }
0x89: {  	v15 =	vmul.f32 v23, v20;
	v9 =	vadd.f32 v14, v9;
	v10 =	vadd.f32 v16, v10;
	v13 =	vld [tilespmem:s0+$0xA0]  }
0x8a: {  	v3 =	vmul.f32 v22, v3;
	v5 =	vadd.f32 v11, v5;
	v11 =	vmul.f32 v26, v21;
	v14 =	vld [tilespmem:s8+$0x90]  }
0x8b: {  	v2 =	vmul.f32 v2, v4;
	v6 =	vadd.f32 v17, v6;
	v7 =	vadd.f32 v15, v7;
	v16 =	vld [tilespmem:s8+$0x80]  }
0x8c: {  	s14 =	sadd.s32 $0x4, s14;
	v3 =	vadd.f32 v3, v8;
	v8 =	vadd.f32 v11, v9;
	v4 =	vld [tilespmem:s0+$0x80]  }
0x8d: {  	p0 =	slt.u32 s14, $0xC4;
	v2 =	vadd.f32 v2, v10;
	v5 =	vadd.f32 v6, v5;
	v9 =	vld [tilespmem:s0+$0x90]  }
0x8e: {  	v3 =	vadd.f32 v3, v7;
	v7 =	vadd.f32 v1, v0;
	v0 =	vmov v8;
	v6 =	vld [tilespmem:s0+$0xFFFFFF00]  }
0x8f: {  	v11 =	vshll.u32 v25, $0x10;
	v1 =	vmovc v2;
	v15 =	vshll.u32 v27, $0x10;
	v10 =	vshll.u32 v12, $0x10;
	v8 =	vld [tilespmem:s8+$0xFFFFFF80];
	[tilespmem:s16+$0xFFFFFFE0] =	vst v5  }
0x90: {  	v18 =	vshll.u32 v13, $0x10;
	v17 =	vshll.u32 v14, $0x10;
	v2 =	vld [tilespmem:s0+$0xFFFFFF80];
	v5 =	vshll.u32 v16, $0x10;
	[tilespmem:s16+$0xFFFFFFF0] =	vst v3  }
0x91: {  	v16 =	vand.u32 $0xFFFF0000, v16;
	v3 =	vld [tilespmem:s8+$0x0];
	v19 =	vshll.u32 v4, $0x10;
	v4 =	vand.u32 $0xFFFF0000, v4;
	[tilespmem:s17+$0x0] =	vst v7;
	s17 =	smov.u32 s16  }
0x92: {  	v7 =	vld [tilespmem:s0+$0x0];
	v5 =	vmul.f32 v19, v5;
	v4 =	vmul.f32 v4, v16;
	v16 =	vshll.u32 v9, $0x10  }
0x93: {  	v14 =	vand.u32 $0xFFFF0000, v14;
	v9 =	vand.u32 $0xFFFF0000, v9;
	v19 =	vld [tilespmem:s8+$0xFFFFFF00];
	v16 =	vmul.f32 v16, v17  }
0x94: {  	v9 =	vmul.f32 v9, v14;
	v17 =	vld [tilespmem:s8+$0xFFFFFF10];
	v5 =	vadd.f32 $0.0e+00, v5;
	v4 =	vadd.f32 $0.0e+00, v4  }
0x95: {  	v12 =	vand.u32 $0xFFFF0000, v12;
	v13 =	vand.u32 $0xFFFF0000, v13;
	v10 =	vmul.f32 v18, v10;
	v14 =	vld [tilespmem:s0+$0xFFFFFF10]  }
0x96: {  	v18 =	vld [tilespmem:s8+$0xFFFFFF90];
	v5 =	vadd.f32 v16, v5;
	v4 =	vadd.f32 v9, v4;
	v9 =	vmul.f32 v13, v12  }
0x97: {  	v11 =	vmul.f32 v15, v11;
	v13 =	vand.u32 $0xFFFF0000, v25;
	v16 =	vand.u32 $0xFFFF0000, v27;
	v12 =	vld [tilespmem:s0+$0xFFFFFF90]  }
0x98: {  	v15 =	vld [tilespmem:s8+$0x10];
	v5 =	vadd.f32 v10, v5;
	v4 =	vadd.f32 v9, v4;
	v9 =	vmul.f32 v16, v13  }
0x99: {  	v10 =	vshll.u32 v19, $0x10;
	v13 =	vshll.u32 v6, $0x10;
	v16 =	vand.u32 $0xFFFF0000, v19;
	v19 =	vld [tilespmem:s0+$0x10]  }
0x9a: {  	v6 =	vand.u32 $0xFFFF0000, v6;
	v20 =	vld [tilespmem:s8+$0xFFFFFF20];
	v5 =	vadd.f32 v11, v5;
	v4 =	vadd.f32 v9, v4  }
0x9b: {  	v21 =	vshll.u32 v2, $0x10;
	v11 =	vshll.u32 v8, $0x10;
	v8 =	vand.u32 $0xFFFF0000, v8;
	v9 =	vld [tilespmem:s0+$0xFFFFFF20]  }
0x9c: {  	v2 =	vand.u32 $0xFFFF0000, v2;
	v23 =	vshll.u32 v3, $0x10;
	v22 =	vld [tilespmem:s8+$0xFFFFFFA0];
	v4 =	vadd.f32 v4, v5  }
0x9d: {  	s16 =	sadd.s32 $0x40, s16;
	v3 =	vand.u32 $0xFFFF0000, v3;
	v24 =	vshll.u32 v7, $0x10;
	v7 =	vand.u32 $0xFFFF0000, v7;
	v5 =	vld [tilespmem:s0+$0xFFFFFFA0]  }
0x9e: {  	v10 =	vmul.f32 v13, v10;
	v6 =	vmul.f32 v6, v16;
	v13 =	vshll.u32 v17, $0x10;
	v16 =	vld [tilespmem:s8+$0x20];
	[tilespmem:s16+$0x10] =	vst v4  }
0x9f: {  	v11 =	vmul.f32 v21, v11;
	v2 =	vmul.f32 v2, v8;
	v4 =	vshll.u32 v14, $0x10;
	v8 =	vld [tilespmem:s0+$0x20]  }
0xa0: {  	v23 =	vmul.f32 v24, v23;
	v3 =	vmul.f32 v7, v3;
	v17 =	vand.u32 $0xFFFF0000, v17;
	v21 =	vld [tilespmem:s8+$0xFFFFFF30]  }
0xa1: {  	v7 =	vand.u32 $0xFFFF0000, v14;
	v25 =	vshll.u32 v12, $0x10;
	v14 =	vshll.u32 v18, $0x10;
	v24 =	vld [tilespmem:s0+$0xFFFFFF30]  }
0xa2: {  	v12 =	vand.u32 $0xFFFF0000, v12;
	v27 =	vshll.u32 v15, $0x10;
	v18 =	vand.u32 $0xFFFF0000, v18;
	v26 =	vld [tilespmem:s8+$0xFFFFFFB0]  }
0xa3: {  	v15 =	vand.u32 $0xFFFF0000, v15;
	v29 =	vshll.u32 v19, $0x10;
	v19 =	vand.u32 $0xFFFF0000, v19;
	v28 =	vld [tilespmem:s0+$0xFFFFFFB0]  }
0xa4: {  	v10 =	vadd.f32 $0.0e+00, v10;
	v6 =	vadd.f32 $0.0e+00, v6;
	v13 =	vmul.f32 v4, v13;
	v4 =	vld [tilespmem:s8+$0x30]  }
0xa5: {  	v7 =	vmul.f32 v7, v17;
	v17 =	vadd.f32 $0.0e+00, v11;
	v30 =	vadd.f32 $0.0e+00, v2;
	v2 =	vld [tilespmem:s0+$0x30]  }
0xa6: {  	v23 =	vadd.f32 $0.0e+00, v23;
	v3 =	vadd.f32 $0.0e+00, v3;
	v14 =	vmul.f32 v25, v14  }
0xa7: {  	v11 =	vshll.u32 v20, $0x10;
	v18 =	vmul.f32 v12, v18;
	v25 =	vmul.f32 v29, v27  }
0xa8: {  	v20 =	vand.u32 $0xFFFF0000, v20;
	v15 =	vmul.f32 v19, v15;
	v12 =	vshll.u32 v9, $0x10  }
0xa9: {  	v9 =	vand.u32 $0xFFFF0000, v9;
	v19 =	vshll.u32 v22, $0x10;
	v27 =	vshll.u32 v5, $0x10  }
0xaa: {  	v22 =	vand.u32 $0xFFFF0000, v22;
	v29 =	vand.u32 $0xFFFF0000, v5;
	v31 =	vshll.u32 v16, $0x10  }
0xab: {  	v16 =	vand.u32 $0xFFFF0000, v16;
	v32 =	vshll.u32 v8, $0x10;
	v33 =	vand.u32 $0xFFFF0000, v8  }
0xac: {  	v6 =	vadd.f32 v7, v6;
	v11 =	vmul.f32 v12, v11;
	v5 =	vadd.f32 v13, v10  }
0xad: {  	v12 =	vmul.f32 v9, v20;
	v7 =	vadd.f32 v14, v17;
	v8 =	vadd.f32 v18, v30  }
.Ltmp0:
0xae: {  	v9 =	vadd.f32 v25, v23;
	v10 =	vadd.f32 v15, v3;
	v13 =	vmul.f32 v27, v19;
	(pc) =	sbr.rel @p0 .LBB2_3-.Ltmp0, $4  }
0xaf: {  	v15 =	vmul.f32 v29, v22;
	v17 =	vshll.u32 v21, $0x10;
	v14 =	vmul.f32 v32, v31  }
0xb0: {  	v18 =	vand.u32 $0xFFFF0000, v21;
	v16 =	vmul.f32 v33, v16;
	v19 =	vshll.u32 v24, $0x10  }
0xb1: {  	v24 =	vand.u32 $0xFFFF0000, v24;
	v20 =	vshll.u32 v26, $0x10;
	v23 =	vshll.u32 v28, $0x10  }
0xb2: {  	s8 =	sadd.s32 $0x200, s8;
	v3 =	vand.u32 $0xFFFF0000, v26;
	v22 =	vand.u32 $0xFFFF0000, v28;
	v21 =	vshll.u32 v4, $0x10  }
0xb3: {  	v25 =	vshll.u32 v2, $0x10  }
0xb4: {  	v4 =	vand.u32 $0xFFFF0000, v4;
	v2 =	vand.u32 $0xFFFF0000, v2;
	v5 =	vadd.f32 v11, v5  }
0xb5: {  	v6 =	vadd.f32 v12, v6;
	v59 =	vmul.f32 v19, v17;
	v60 =	vmul.f32 v24, v18  }
0xb6: {  	v7 =	vadd.f32 v13, v7;
	v8 =	vadd.f32 v15, v8;
	v61 =	vmul.f32 v23, v20  }
0xb7: {  	v9 =	vadd.f32 v14, v9;
	v10 =	vadd.f32 v16, v10;
	v3 =	vmul.f32 v22, v3  }
0xb8: {  	v0 =	vadd.f32 v1, v0;
	v62 =	vmul.f32 v25, v21;
	v5 =	vadd.f32 v59, v5  }
0xb9: {  	v2 =	vmul.f32 v2, v4;
	v6 =	vadd.f32 v60, v6;
	v7 =	vadd.f32 v61, v7  }
0xba: {  	v3 =	vadd.f32 v3, v8;
	v63 =	vadd.f32 v62, v9  }
0xbb: {  	v2 =	vadd.f32 v2, v10;
	v5 =	vadd.f32 v6, v5  }
0xbc: {  	[tilespmem:s17+$0x0] =	vst v0;
	v3 =	vadd.f32 v3, v7  }
0xbd: {  	v1 =	vadd.f32 v2, v63;
	[tilespmem:s16+$0xFFFFFFE0] =	vst v5  }
0xbe: {  	[tilespmem:s16+$0xFFFFFFF0] =	vst v3  }
0xbf: {  	[tilespmem:s16+$0x0] =	vst v1  }
0xc0: {  	v0 =	vld [tilespmem:s31+$0xFFFFFFE4]  }
0xc1: {  	v1 =	vld [tilespmem:s31+$0xFFFFFFE0];
	_ =	sdelay $0x1  }
0xc2: {  	v2 =	vld [tilespmem:s31+$0xFFFFFFE8];
	_ =	sdelay $0x1  }
0xc3: {  	v3 =	vld [tilespmem:s31+$0xFFFFFFEC]  }
0xc4: {  	v0 =	vadd.f32 v0, v1;
	_ =	sdelay $0x1  }
0xc5: {  	v0 =	vadd.f32 v2, v0;
	_ =	sdelay $0x1  }
0xc6: {  	v0 =	vadd.f32 v3, v0;
	_ =	sdelay $0x1  }
0xc7: {  	[tilespmem:s30+$0xFFFFFFF8] =	vst v0  }
0xc8: {  	v0 =	vld [tilespmem:s31+$0xFFFFFFF0]  }
0xc9: {  	v1 =	vld [tilespmem:s31+$0xFFFFFFF4];
	_ =	sdelay $0x1  }
0xca: {  	v2 =	vld [tilespmem:s31+$0xFFFFFFF8];
	_ =	sdelay $0x1  }
0xcb: {  	v3 =	vld [tilespmem:s31+$0xFFFFFFFC]  }
0xcc: {  	v0 =	vadd.f32 v1, v0;
	_ =	sdelay $0x1  }
0xcd: {  	v0 =	vadd.f32 v2, v0;
	_ =	sdelay $0x1  }
0xce: {  	v0 =	vadd.f32 v3, v0;
	_ =	sdelay $0x1  }
0xcf: {  	[tilespmem:s30+$0xFFFFFFFC] =	vst v0  }
0xd0: {  	v0 =	vld [tilespmem:s31+$0x0]  }
0xd1: {  	v1 =	vld [tilespmem:s31+$0x4];
	_ =	sdelay $0x1  }
0xd2: {  	v2 =	vld [tilespmem:s31+$0x8];
	_ =	sdelay $0x1  }
0xd3: {  	v3 =	vld [tilespmem:s31+$0xC]  }
0xd4: {  	v0 =	vadd.f32 v1, v0;
	_ =	sdelay $0x1  }
0xd5: {  	v0 =	vadd.f32 v2, v0;
	_ =	sdelay $0x1  }
0xd6: {  	v0 =	vadd.f32 v3, v0;
	_ =	sdelay $0x1  }
0xd7: {  	[tilespmem:s30+$0x0] =	vst v0  }
0xd8: {  	v2 =	vld [tilespmem:s31+$0x10]  }
0xd9: {  	v3 =	vld [tilespmem:s31+$0x14];
	_ =	sdelay $0x1  }
0xda: {  	v1 =	vld [tilespmem:s31+$0x18];
	_ =	sdelay $0x1  }
0xdb: {  	v0 =	vld [tilespmem:s31+$0x1C]  }
0xdc: {  	v2 =	vadd.f32 v3, v2  }
0xdd: {  	s0 =	simm.s32 $0x1A482;
	s14 =	simm.s32 $0x1A108;
	s8 =	simm.s32 $0x1A108  }
.LBB2_5:
0xde: {  	s1 =	sadd.s32 $0x4, s1;
	v1 =	vadd.f32 v1, v2;
	s31 =	sadd.s32 $0x40, s31;
	s14 =	sadd.s32 $0x10, s14  }
0xdf: {  	p0 =	slt.u32 s1, $0xC4  }
0xe0: {  	v0 =	vadd.f32 v0, v1;
	_ =	sdelay $0x1  }
0xe1: {  	[tilespmem:s8+$0x4] =	vst v0;
	s8 =	smov.u32 s14  }
0xe2: {  	v0 =	vld [tilespmem:s31+$0xFFFFFFE4]  }
0xe3: {  	v1 =	vld [tilespmem:s31+$0xFFFFFFE0];
	_ =	sdelay $0x1  }
0xe4: {  	v2 =	vld [tilespmem:s31+$0xFFFFFFE8];
	_ =	sdelay $0x1  }
0xe5: {  	v3 =	vld [tilespmem:s31+$0xFFFFFFEC]  }
0xe6: {  	v0 =	vadd.f32 v0, v1;
	_ =	sdelay $0x1  }
0xe7: {  	v0 =	vadd.f32 v2, v0;
	_ =	sdelay $0x1  }
0xe8: {  	v0 =	vadd.f32 v3, v0;
	_ =	sdelay $0x1  }
0xe9: {  	[tilespmem:s14+$0xFFFFFFF8] =	vst v0  }
0xea: {  	v0 =	vld [tilespmem:s31+$0xFFFFFFF0]  }
0xeb: {  	v1 =	vld [tilespmem:s31+$0xFFFFFFF4];
	_ =	sdelay $0x1  }
0xec: {  	v2 =	vld [tilespmem:s31+$0xFFFFFFF8];
	_ =	sdelay $0x1  }
0xed: {  	v3 =	vld [tilespmem:s31+$0xFFFFFFFC]  }
0xee: {  	v0 =	vadd.f32 v1, v0;
	_ =	sdelay $0x1  }
0xef: {  	v0 =	vadd.f32 v2, v0;
	_ =	sdelay $0x1  }
0xf0: {  	v0 =	vadd.f32 v3, v0;
	_ =	sdelay $0x1  }
0xf1: {  	[tilespmem:s14+$0xFFFFFFFC] =	vst v0  }
0xf2: {  	v0 =	vld [tilespmem:s31+$0x0]  }
0xf3: {  	v1 =	vld [tilespmem:s31+$0x4];
	_ =	sdelay $0x1  }
0xf4: {  	v2 =	vld [tilespmem:s31+$0x8];
	_ =	sdelay $0x1  }
0xf5: {  	v3 =	vld [tilespmem:s31+$0xC]  }
0xf6: {  	v0 =	vadd.f32 v1, v0;
	_ =	sdelay $0x1  }
0xf7: {  	v0 =	vadd.f32 v2, v0;
	_ =	sdelay $0x1  }
0xf8: {  	v0 =	vadd.f32 v3, v0;
	_ =	sdelay $0x1  }
0xf9: {  	[tilespmem:s14+$0x0] =	vst v0  }
0xfa: {  	v2 =	vld [tilespmem:s31+$0x10]  }
0xfb: {  	v3 =	vld [tilespmem:s31+$0x14]  }
0xfc: {  	v1 =	vld [tilespmem:s31+$0x18]  }
.Ltmp1:
0xfd: {  	v0 =	vld [tilespmem:s31+$0x1C];
	(pc) =	sbr.rel @p0 .LBB2_5-.Ltmp1, $2  }
0xfe: {  	_ =	sdelay $0x1  }
0xff: {  	v2 =	vadd.f32 v3, v2;
	_ =	sdelay $0x1  }
0x100: {  	v1 =	vadd.f32 v1, v2;
	_ =	sdelay $0x1  }
0x101: {  	v0 =	vadd.f32 v0, v1;
	_ =	sdelay $0x1  }
0x102: {  	[tilespmem:s8+$0x4] =	vst v0  }
0x103: {  	v0 =	vld [tilespmem:s30+$0xFFFFFFF9]  }
0x104: {  	v1 =	vld [tilespmem:s30+$0xFFFFFFF8];
	_ =	sdelay $0x1  }
0x105: {  	v2 =	vld [tilespmem:s30+$0xFFFFFFFA];
	_ =	sdelay $0x1  }
0x106: {  	v3 =	vld [tilespmem:s30+$0xFFFFFFFB]  }
0x107: {  	v0 =	vadd.f32 v0, v1;
	_ =	sdelay $0x1  }
0x108: {  	v0 =	vadd.f32 v2, v0;
	_ =	sdelay $0x1  }
0x109: {  	v0 =	vadd.f32 v3, v0;
	_ =	sdelay $0x1  }
0x10a: {  	[tilespmem:s0+$0xFFFFFFFE] =	vst v0  }
0x10b: {  	v0 =	vld [tilespmem:s30+$0xFFFFFFFC]  }
0x10c: {  	v1 =	vld [tilespmem:s30+$0xFFFFFFFD];
	_ =	sdelay $0x1  }
0x10d: {  	v2 =	vld [tilespmem:s30+$0xFFFFFFFE];
	_ =	sdelay $0x1  }
0x10e: {  	v3 =	vld [tilespmem:s30+$0xFFFFFFFF]  }
0x10f: {  	v0 =	vadd.f32 v1, v0;
	_ =	sdelay $0x1  }
0x110: {  	v0 =	vadd.f32 v2, v0;
	_ =	sdelay $0x1  }
0x111: {  	v0 =	vadd.f32 v3, v0;
	_ =	sdelay $0x1  }
0x112: {  	[tilespmem:s0+$0xFFFFFFFF] =	vst v0  }
0x113: {  	v0 =	vld [tilespmem:s30+$0x0]  }
0x114: {  	v1 =	vld [tilespmem:s30+$0x1];
	_ =	sdelay $0x1  }
0x115: {  	v2 =	vld [tilespmem:s30+$0x2];
	_ =	sdelay $0x1  }
0x116: {  	v3 =	vld [tilespmem:s30+$0x3]  }
0x117: {  	v0 =	vadd.f32 v1, v0;
	_ =	sdelay $0x1  }
0x118: {  	v0 =	vadd.f32 v2, v0;
	_ =	sdelay $0x1  }
0x119: {  	v0 =	vadd.f32 v3, v0;
	_ =	sdelay $0x1  }
0x11a: {  	[tilespmem:s0+$0x0] =	vst v0  }
0x11b: {  	v2 =	vld [tilespmem:s30+$0x4]  }
0x11c: {  	v3 =	vld [tilespmem:s30+$0x5];
	_ =	sdelay $0x1  }
0x11d: {  	v1 =	vld [tilespmem:s30+$0x6];
	_ =	sdelay $0x1  }
0x11e: {  	v0 =	vld [tilespmem:s30+$0x7]  }
0x11f: {  	s1 =	simm.s32 $0x1A482;
	s8 =	simm.s32 $0x0;
	v2 =	vadd.f32 v3, v2  }
.LBB2_7:
0x120: {  	_ = 	snop  }
0x121: {  	s8 =	sadd.s32 $0x4, s8;
	s0 =	sadd.s32 $0x4, s0;
	s30 =	sadd.s32 $0x10, s30;
	v1 =	vadd.f32 v1, v2  }
0x122: {  	p0 =	slt.u32 s8, $0xC4  }
0x123: {  	v0 =	vadd.f32 v0, v1;
	_ =	sdelay $0x1  }
0x124: {  	[tilespmem:s1+$0x1] =	vst v0;
	s1 =	smov.u32 s0  }
0x125: {  	v0 =	vld [tilespmem:s30+$0xFFFFFFF9]  }
0x126: {  	v1 =	vld [tilespmem:s30+$0xFFFFFFF8];
	_ =	sdelay $0x1  }
0x127: {  	v2 =	vld [tilespmem:s30+$0xFFFFFFFA];
	_ =	sdelay $0x1  }
0x128: {  	v3 =	vld [tilespmem:s30+$0xFFFFFFFB]  }
0x129: {  	v0 =	vadd.f32 v0, v1;
	_ =	sdelay $0x1  }
0x12a: {  	v0 =	vadd.f32 v2, v0;
	_ =	sdelay $0x1  }
0x12b: {  	v0 =	vadd.f32 v3, v0;
	_ =	sdelay $0x1  }
0x12c: {  	[tilespmem:s0+$0xFFFFFFFE] =	vst v0  }
0x12d: {  	v0 =	vld [tilespmem:s30+$0xFFFFFFFC]  }
0x12e: {  	v1 =	vld [tilespmem:s30+$0xFFFFFFFD];
	_ =	sdelay $0x1  }
0x12f: {  	v2 =	vld [tilespmem:s30+$0xFFFFFFFE];
	_ =	sdelay $0x1  }
0x130: {  	v3 =	vld [tilespmem:s30+$0xFFFFFFFF]  }
0x131: {  	v0 =	vadd.f32 v1, v0;
	_ =	sdelay $0x1  }
0x132: {  	v0 =	vadd.f32 v2, v0;
	_ =	sdelay $0x1  }
0x133: {  	v0 =	vadd.f32 v3, v0;
	_ =	sdelay $0x1  }
0x134: {  	[tilespmem:s0+$0xFFFFFFFF] =	vst v0  }
0x135: {  	v0 =	vld [tilespmem:s30+$0x0]  }
0x136: {  	v1 =	vld [tilespmem:s30+$0x1];
	_ =	sdelay $0x1  }
0x137: {  	v2 =	vld [tilespmem:s30+$0x2];
	_ =	sdelay $0x1  }
0x138: {  	v3 =	vld [tilespmem:s30+$0x3]  }
0x139: {  	v0 =	vadd.f32 v1, v0;
	_ =	sdelay $0x1  }
0x13a: {  	v0 =	vadd.f32 v2, v0;
	_ =	sdelay $0x1  }
0x13b: {  	v0 =	vadd.f32 v3, v0;
	_ =	sdelay $0x1  }
0x13c: {  	[tilespmem:s0+$0x0] =	vst v0  }
0x13d: {  	v2 =	vld [tilespmem:s30+$0x4]  }
0x13e: {  	v3 =	vld [tilespmem:s30+$0x5]  }
.Ltmp2:
0x13f: {  	v1 =	vld [tilespmem:s30+$0x6];
	(pc) =	sbr.rel @p0 .LBB2_7-.Ltmp2, $2  }
0x140: {  	v0 =	vld [tilespmem:s30+$0x7];
	_ =	sdelay $0x2  }
0x141: {  	v2 =	vadd.f32 v3, v2  }
0x142: {  	_ = 	snop  }
0x143: {  	v1 =	vadd.f32 v1, v2;
	_ =	sdelay $0x1  }
0x144: {  	s0 =	sadd.s32 s4, s29;
	v0 =	vadd.f32 v0, v1  }
0x145: {  	s0 =	sshrl.u32 s0, $0x3  }
0x146: {  	p0 =	seq.s32 s26, $0x18;
	s0 =	sadd.s32 s7, s0;
	[tilespmem:s1+$0x1] =	vst v0  }
0x147: {  	[hbm4b:s0+s2] =	stream.linear.scatter [tilespmem:s24], [sflag:$0x3], $0xC8, $0x38;
	[tilespmem:$0x1A580] =	vst v63  }
0x148: {  	s0 =	sadd.s32 @!p0 s29, s11;
	_ =	swait.ge [sflag:s13], $0xC8  }
0x149: {  	s0 =	sshrl.u32 @!p0 s0, $0x3;
	[sflag:s13] =	ssyncset.done $0x0  }
0x14a: {  	s8 =	simm.s32 @!p0 $0x0;
	s1 =	sadd.s32 @!p0 s5, s0;
	[sflag:s13] =	ssyncadd.s32 $0xFFFFFF38  }
0x14b: {  	[tilespmem:s8], [sflag:$0x3] =	stream.linear.gather @!p0 [hbm4b:s1+s8], $0xC8, $0x38;
	[tilespmem:$0x1A580] =	vst v63  }
0x14c: {  	s1 =	simm.s32 @!p0 $0x3  }
0x14d: {  	_ =	swait.ge @!p0 [sflag:s1], $0xC8  }
0x14e: {  	[sflag:s1] =	ssyncset.done @!p0 $0x0  }
0x14f: {  	s14 =	simm.s32 @!p0 $0x200;
	s0 =	sadd.s32 @!p0 s6, s0;
	[sflag:s1] =	ssyncadd.s32 @!p0 $0xFFFFFF38  }
0x150: {  	[tilespmem:s14], [sflag:$0x3] =	stream.linear.gather @!p0 [hbm4b:s0+s8], $0xC8, $0x38;
	[tilespmem:$0x1A580] =	vst v63  }
0x151: {  	_ =	swait.ge @!p0 [sflag:s1], $0xC8  }
0x152: {  	[sflag:s1] =	ssyncset.done @!p0 $0x0  }
0x153: {  	s0 =	simm.s32 @!p0 $0xC8;
	[sflag:s1] =	ssyncadd.s32 @!p0 $0xFFFFFF38;
	s1 =	simm.s32 @!p0 $0x400  }
0x154: {  	[tilespmem:s1], [sflag:$0x1] =	stream.indirect.gather @!p0 [hbm4b:s3+s0], $0x80, s8, s0, $0xb8;
	[tilespmem:$0x1A580] =	vst v63  }
0x155: {  	s1 =	simm.s32 @!p0 $0xCC00  }
0x156: {  	[tilespmem:s1], [sflag:$0x2] =	stream.indirect.gather @!p0 [hbm4b:s3+s0], $0x80, s14, s0, $0xb8;
	[tilespmem:$0x1A580] =	vst v63  }
0x157: {  	_ =	swait.ge [sflag:s22], $0x6400  }
0x158: {  	[sflag:s22] =	ssyncset.done $0x0  }
0x159: {  	[sflag:s22] =	ssyncadd.s32 $0xFFFF9C00  }
0x15a: {  	_ =	swait.ge [sflag:s23], $0x6400  }
0x15b: {  	[sflag:s23] =	ssyncset.done $0x0  }
0x15c: {  	s16 =	simm.s32 $0x6900;
	[sflag:s23] =	ssyncadd.s32 $0xFFFF9C00  }
0x15d: {  	s17 =	simm.s32 $0x13100;
	v0 =	vld [tilespmem:s16+$0xB0]  }
0x15e: {  	v1 =	vld [tilespmem:s17+$0xB0]  }
0x15f: {  	v2 =	vld [tilespmem:s16+$0xA0]  }
0x160: {  	v3 =	vld [tilespmem:s17+$0xA0]  }
0x161: {  	v4 =	vld [tilespmem:s16+$0x90]  }
0x162: {  	v5 =	vld [tilespmem:s16+$0x80]  }
0x163: {  	v6 =	vld [tilespmem:s17+$0x80];
	_ =	sdelay $0x1  }
0x164: {  	v17 =	vld [tilespmem:s16+$0x10]  }
0x165: {  	v22 =	vld [tilespmem:s17+$0xFFFFFFA0];
	v8 =	vshll.u32 v2, $0x10;
	v9 =	vshll.u32 v0, $0x10  }
0x166: {  	v23 =	vld [tilespmem:s16+$0x20];
	v10 =	vshll.u32 v1, $0x10;
	v11 =	vshll.u32 v5, $0x10;
	v12 =	vshll.u32 v4, $0x10  }
0x167: {  	v7 =	vld [tilespmem:s17+$0x90];
	v13 =	vshll.u32 v3, $0x10;
	v14 =	vshll.u32 v6, $0x10;
	v5 =	vand.u32 $0xFFFF0000, v5  }
0x168: {  	v6 =	vand.u32 $0xFFFF0000, v6;
	v4 =	vand.u32 $0xFFFF0000, v4;
	v2 =	vand.u32 $0xFFFF0000, v2  }
0x169: {  	v3 =	vand.u32 $0xFFFF0000, v3;
	v0 =	vand.u32 $0xFFFF0000, v0;
	v1 =	vand.u32 $0xFFFF0000, v1  }
0x16a: {  	v15 =	vld [tilespmem:s16+$0xFFFFFF00];
	v20 =	vshll.u32 v17, $0x10;
	v17 =	vand.u32 $0xFFFF0000, v17;
	v24 =	vshll.u32 v22, $0x10  }
0x16b: {  	v22 =	vand.u32 $0xFFFF0000, v22;
	v26 =	vshll.u32 v23, $0x10;
	v11 =	vmul.f32 v14, v11  }
0x16c: {  	v14 =	vld [tilespmem:s17+$0xFFFFFF00];
	v5 =	vmul.f32 v6, v5;
	v6 =	vshll.u32 v7, $0x10;
	v7 =	vand.u32 $0xFFFF0000, v7  }
0x16d: {  	v23 =	vand.u32 $0xFFFF0000, v23;
	v8 =	vmul.f32 v13, v8;
	v4 =	vmul.f32 v7, v4;
	v7 =	vld [tilespmem:s17+$0xFFFFFF80]  }
0x16e: {  	v6 =	vmul.f32 v6, v12;
	v11 =	vadd.f32 $0.0e+00, v11;
	v5 =	vadd.f32 $0.0e+00, v5  }
0x16f: {  	v2 =	vmul.f32 v3, v2;
	v0 =	vmul.f32 v1, v0;
	v1 =	vshll.u32 v15, $0x10;
	v12 =	vld [tilespmem:s16+$0xFFFFFF80]  }
0x170: {  	v3 =	vld [tilespmem:s17+$0x0];
	v6 =	vadd.f32 v6, v11;
	v4 =	vadd.f32 v4, v5;
	v5 =	vmul.f32 v10, v9  }
0x171: {  	v11 =	vld [tilespmem:s16+$0x0];
	v10 =	vand.u32 $0xFFFF0000, v15;
	v9 =	vshll.u32 v14, $0x10;
	v13 =	vand.u32 $0xFFFF0000, v14  }
0x172: {  	v14 =	vld [tilespmem:s16+$0xFFFFFF90];
	v6 =	vadd.f32 v8, v6;
	v2 =	vadd.f32 v2, v4;
	v16 =	vshll.u32 v7, $0x10  }
0x173: {  	v8 =	vld [tilespmem:s16+$0xFFFFFF10];
	v7 =	vand.u32 $0xFFFF0000, v7;
	v1 =	vmul.f32 v9, v1;
	v9 =	vmul.f32 v13, v10  }
0x174: {  	v4 =	vld [tilespmem:s17+$0xFFFFFF10];
	v5 =	vadd.f32 v5, v6;
	v0 =	vadd.f32 v0, v2;
	v6 =	vshll.u32 v12, $0x10  }
0x175: {  	v12 =	vand.u32 $0xFFFF0000, v12;
	v1 =	vadd.f32 $0.0e+00, v1;
	v9 =	vadd.f32 $0.0e+00, v9  }
0x176: {  	v15 =	vld [tilespmem:s17+$0xFFFFFF90];
	v18 =	vshll.u32 v11, $0x10;
	v11 =	vand.u32 $0xFFFF0000, v11;
	v6 =	vmul.f32 v16, v6  }
0x177: {  	v7 =	vmul.f32 v7, v12;
	v2 =	vadd.f32 v0, v5;
	v0 =	vshll.u32 v3, $0x10  }
0x178: {  	v3 =	vand.u32 $0xFFFF0000, v3;
	v16 =	vshll.u32 v14, $0x10;
	v14 =	vand.u32 $0xFFFF0000, v14  }
0x179: {  	v12 =	vld [tilespmem:s16+$0xFFFFFF20];
	v10 =	vshll.u32 v8, $0x10;
	v13 =	vshll.u32 v4, $0x10;
	v8 =	vand.u32 $0xFFFF0000, v8  }
0x17a: {  	v0 =	vmul.f32 v0, v18;
	v3 =	vmul.f32 v3, v11;
	v4 =	vand.u32 $0xFFFF0000, v4  }
0x17b: {  	v5 =	vld [tilespmem:s17+$0x10];
	v18 =	vshll.u32 v15, $0x10;
	v15 =	vand.u32 $0xFFFF0000, v15;
	v6 =	vadd.f32 $0.0e+00, v6  }
0x17c: {  	v11 =	vld [tilespmem:s17+$0xFFFFFF20];
	v7 =	vadd.f32 $0.0e+00, v7;
	v10 =	vmul.f32 v13, v10;
	v4 =	vmul.f32 v4, v8  }
0x17d: {  	v19 =	vld [tilespmem:s16+$0xFFFFFFA0];
	v13 =	vmul.f32 v18, v16;
	v14 =	vmul.f32 v15, v14;
	v0 =	vadd.f32 $0.0e+00, v0  }
0x17e: {  	v8 =	vld [tilespmem:s17+$0x20];
	v3 =	vadd.f32 $0.0e+00, v3;
	v16 =	vshll.u32 v12, $0x10;
	v1 =	vadd.f32 v10, v1  }
0x17f: {  	v25 =	vld [tilespmem:s16+$0xFFFFFFB0];
	v12 =	vand.u32 $0xFFFF0000, v12;
	v4 =	vadd.f32 v4, v9;
	v6 =	vadd.f32 v13, v6  }
0x180: {  	v28 =	vld [tilespmem:s17+$0xFFFFFFB0];
	v7 =	vadd.f32 v14, v7;
	v21 =	vshll.u32 v5, $0x10;
	v5 =	vand.u32 $0xFFFF0000, v5  }
0x181: {  	v15 =	vmul.f32 v21, v20;
	v18 =	vshll.u32 v11, $0x10;
	v5 =	vmul.f32 v5, v17  }
0x182: {  	v11 =	vand.u32 $0xFFFF0000, v11;
	v21 =	vshll.u32 v19, $0x10;
	v19 =	vand.u32 $0xFFFF0000, v19  }
0x183: {  	v10 =	vld [tilespmem:s16+$0x30];
	v27 =	vshll.u32 v8, $0x10;
	v9 =	vmul.f32 v18, v16;
	v11 =	vmul.f32 v11, v12  }
0x184: {  	v20 =	vld [tilespmem:s16+$0xFFFFFF30];
	v8 =	vand.u32 $0xFFFF0000, v8;
	v13 =	vmul.f32 v24, v21;
	v14 =	vmul.f32 v22, v19  }
0x185: {  	v17 =	vld [tilespmem:s17+$0xFFFFFF30];
	v19 =	vshll.u32 v25, $0x10;
	v21 =	vand.u32 $0xFFFF0000, v25;
	v22 =	vand.u32 $0xFFFF0000, v28  }
0x186: {  	v0 =	vadd.f32 v15, v0;
	v3 =	vadd.f32 v5, v3;
	v15 =	vmul.f32 v27, v26  }
0x187: {  	v12 =	vld [tilespmem:s17+$0x30];
	v8 =	vmul.f32 v8, v23;
	v1 =	vadd.f32 v9, v1;
	v4 =	vadd.f32 v11, v4  }
0x188: {  	s0 =	simm.s32 $0x13300;
	v23 =	vshll.u32 v10, $0x10;
	v6 =	vadd.f32 v13, v6;
	v7 =	vadd.f32 v14, v7  }
0x189: {  	s30 =	simm.s32 $0x6B00;
	v27 =	vld [tilespmem:s0+$0xFFFFFFA0];
	v10 =	vand.u32 $0xFFFF0000, v10;
	v0 =	vadd.f32 v15, v0;
	v3 =	vadd.f32 v8, v3  }
0x18a: {  	v24 =	vld [tilespmem:s30+$0xB0];
	v15 =	vmul.f32 v22, v21;
	v5 =	vshll.u32 v20, $0x10;
	v16 =	vshll.u32 v17, $0x10  }
0x18b: {  	v13 =	vld [tilespmem:s0+$0xA0];
	v18 =	vand.u32 $0xFFFF0000, v20;
	v17 =	vand.u32 $0xFFFF0000, v17;
	v20 =	vshll.u32 v28, $0x10  }
0x18c: {  	v8 =	vld [tilespmem:s30+$0x90];
	v25 =	vshll.u32 v12, $0x10;
	v12 =	vand.u32 $0xFFFF0000, v12;
	v5 =	vmul.f32 v16, v5  }
0x18d: {  	v26 =	vld [tilespmem:s0+$0xB0];
	v11 =	vmul.f32 v17, v18;
	v14 =	vmul.f32 v20, v19;
	v7 =	vadd.f32 v15, v7  }
0x18e: {  	v9 =	vld [tilespmem:s30+$0xA0];
	v10 =	vmul.f32 v12, v10;
	v32 =	vshll.u32 v27, $0x10;
	v27 =	vand.u32 $0xFFFF0000, v27  }
0x18f: {  	v16 =	vld [tilespmem:s30+$0x80];
	v1 =	vadd.f32 v5, v1;
	v5 =	vmul.f32 v25, v23;
	v4 =	vadd.f32 v11, v4  }
0x190: {  	v6 =	vadd.f32 v14, v6;
	v14 =	vshll.u32 v13, $0x10;
	v13 =	vand.u32 $0xFFFF0000, v13  }
0x191: {  	v11 =	vld [tilespmem:s0+$0x80];
	v12 =	vshll.u32 v8, $0x10;
	v0 =	vadd.f32 v5, v0;
	v18 =	vadd.f32 v4, v1  }
0x192: {  	v8 =	vand.u32 $0xFFFF0000, v8;
	v5 =	vld [tilespmem:s0+$0x90];
	v1 =	vadd.f32 v10, v3;
	v3 =	vadd.f32 v7, v6  }
0x193: {  	v30 =	vld [tilespmem:s30+$0xFFFFFF30];
	v4 =	vshll.u32 v9, $0x10;
	v6 =	vshll.u32 v24, $0x10;
	v7 =	vshll.u32 v26, $0x10  }
0x194: {  	v35 =	vld [tilespmem:s30+$0xFFFFFFB0];
	v9 =	vand.u32 $0xFFFF0000, v9;
	v10 =	vshll.u32 v16, $0x10;
	v16 =	vand.u32 $0xFFFF0000, v16  }
0x195: {  	v23 =	vld [tilespmem:s0+$0x10];
	v4 =	vmul.f32 v14, v4;
	v9 =	vmul.f32 v13, v9;
	v13 =	vand.u32 $0xFFFF0000, v26  }
0x196: {  	v25 =	vld [tilespmem:s30+$0xFFFFFFA0];
	v6 =	vmul.f32 v7, v6;
	v15 =	vshll.u32 v11, $0x10;
	v11 =	vand.u32 $0xFFFF0000, v11  }
0x197: {  	s29 =	simm.s32 $0x19420;
	v14 =	vld [tilespmem:s0+$0xFFFFFF80];
	v10 =	vmul.f32 v15, v10;
	v11 =	vmul.f32 v11, v16;
	v15 =	vshll.u32 v5, $0x10  }
0x198: {  	[tilespmem:s29+$0xFFFFFFE0] =	vst v18;
	v18 =	vand.u32 $0xFFFF0000, v30;
	v5 =	vand.u32 $0xFFFF0000, v5;
	v12 =	vmul.f32 v15, v12  }
0x199: {  	v16 =	vld [tilespmem:s0+$0xFFFFFF00];
	v10 =	vadd.f32 $0.0e+00, v10;
	v11 =	vadd.f32 $0.0e+00, v11;
	v5 =	vmul.f32 v5, v8  }
0x19a: {  	[tilespmem:s29+$0xFFFFFFF0] =	vst v3;
	v3 =	vand.u32 $0xFFFF0000, v35;
	v26 =	vshll.u32 v23, $0x10;
	v23 =	vand.u32 $0xFFFF0000, v23;
	v15 =	vld [tilespmem:s30+$0xFFFFFF00]  }
0x19b: {  	v31 =	vshll.u32 v25, $0x10;
	v8 =	vld [tilespmem:s30+$0xFFFFFF80];
	v10 =	vadd.f32 v12, v10;
	v5 =	vadd.f32 v5, v11  }
0x19c: {  	v17 =	vld [tilespmem:s0+$0xFFFFFF10];
	v25 =	vand.u32 $0xFFFF0000, v25;
	v19 =	vshll.u32 v14, $0x10;
	v14 =	vand.u32 $0xFFFF0000, v14  }
0x19d: {  	v11 =	vld [tilespmem:s30+$0x0];
	v12 =	vand.u32 $0xFFFF0000, v24;
	v4 =	vadd.f32 v4, v10;
	v5 =	vadd.f32 v9, v5  }
0x19e: {  	v20 =	vld [tilespmem:s0+$0xFFFFFF90];
	v9 =	vmul.f32 v13, v12;
	v13 =	vshll.u32 v16, $0x10;
	v16 =	vand.u32 $0xFFFF0000, v16  }
0x19f: {  	v7 =	vld [tilespmem:s0+$0x0];
	v12 =	vshll.u32 v15, $0x10;
	v15 =	vand.u32 $0xFFFF0000, v15;
	v4 =	vadd.f32 v6, v4  }
0x1a0: {  	v5 =	vadd.f32 v9, v5;
	v9 =	vshll.u32 v8, $0x10;
	v8 =	vand.u32 $0xFFFF0000, v8  }
0x1a1: {  	v10 =	vld [tilespmem:s30+$0xFFFFFF10];
	v12 =	vmul.f32 v13, v12;
	v13 =	vmul.f32 v16, v15;
	v16 =	vshll.u32 v17, $0x10  }
0x1a2: {  	v21 =	vshll.u32 v11, $0x10;
	v11 =	vand.u32 $0xFFFF0000, v11;
	v9 =	vmul.f32 v19, v9  }
0x1a3: {  	v37 =	vld [tilespmem:s0+$0xFFFFFFB0];
	v8 =	vmul.f32 v14, v8;
	v14 =	vand.u32 $0xFFFF0000, v17;
	v19 =	vshll.u32 v20, $0x10  }
0x1a4: {  	v6 =	vld [tilespmem:s30+$0xFFFFFF90];
	v20 =	vand.u32 $0xFFFF0000, v20;
	v22 =	vadd.f32 v5, v4;
	v5 =	vshll.u32 v7, $0x10  }
0x1a5: {  	v7 =	vand.u32 $0xFFFF0000, v7;
	v12 =	vadd.f32 $0.0e+00, v12;
	v13 =	vadd.f32 $0.0e+00, v13  }
0x1a6: {  	v4 =	vld [tilespmem:s30+$0x10];
	v15 =	vshll.u32 v10, $0x10;
	v10 =	vand.u32 $0xFFFF0000, v10;
	v5 =	vmul.f32 v5, v21  }
0x1a7: {  	s31 =	simm.s32 $0x19460;
	v7 =	vmul.f32 v7, v11;
	v11 =	vld [tilespmem:s30+$0xFFFFFF20];
	v9 =	vadd.f32 $0.0e+00, v9;
	v8 =	vadd.f32 $0.0e+00, v8  }
0x1a8: {  	v21 =	vld [tilespmem:s0+$0xFFFFFF20];
	v15 =	vmul.f32 v16, v15;
	v10 =	vmul.f32 v14, v10;
	[tilespmem:s31+$0x10] =	vst v22;
	v22 =	vand.u32 $0xFFFF0000, v37  }
0x1a9: {  	v17 =	vshll.u32 v6, $0x10;
	v6 =	vand.u32 $0xFFFF0000, v6;
	v63 =	vadd.f32 $0.0e+00, v7  }
0x1aa: {  	v16 =	vld [tilespmem:s30+$0x20];
	v17 =	vmul.f32 v19, v17;
	v19 =	vadd.f32 $0.0e+00, v5;
	v20 =	vmul.f32 v20, v6  }
0x1ab: {  	v14 =	vld [tilespmem:s0+$0x20];
	v5 =	vadd.f32 v15, v12;
	v6 =	vadd.f32 v10, v13;
	v13 =	vmul.f32 v32, v31  }
0x1ac: {  	v15 =	vmul.f32 v27, v25;
	v24 =	vshll.u32 v4, $0x10;
	v4 =	vand.u32 $0xFFFF0000, v4  }
0x1ad: {  	v7 =	vshll.u32 v11, $0x10;
	v24 =	vmul.f32 v26, v24;
	v26 =	vshll.u32 v21, $0x10  }
0x1ae: {  	v33 =	vld [tilespmem:s0+$0xFFFFFF30];
	v29 =	vand.u32 $0xFFFF0000, v11;
	v23 =	vmul.f32 v23, v4;
	v21 =	vand.u32 $0xFFFF0000, v21  }
0x1af: {  	v4 =	vld [tilespmem:s30+$0x30];
	v8 =	vadd.f32 v20, v8;
	v20 =	vshll.u32 v35, $0x10;
	v34 =	vshll.u32 v16, $0x10  }
0x1b0: {  	[tilespmem:s29+$0x10] =	vst v2;
	v2 =	vld [tilespmem:s0+$0x30];
	v36 =	vshll.u32 v14, $0x10;
	v16 =	vand.u32 $0xFFFF0000, v16;
	v38 =	vand.u32 $0xFFFF0000, v14  }
0x1b1: {  	v11 =	vmul.f32 v26, v7;
	v12 =	vmul.f32 v21, v29;
	v7 =	vadd.f32 v17, v9  }
0x1b2: {  	v17 =	vshll.u32 v30, $0x10;
	v9 =	vadd.f32 v24, v19;
	v10 =	vadd.f32 v23, v63  }
0x1b3: {  	s1 =	simm.s32 $0x0;
	v14 =	vmul.f32 v36, v34;
	v19 =	vshll.u32 v33, $0x10;
	v16 =	vmul.f32 v38, v16  }
0x1b4: {  	s14 =	simm.s32 $0x6D00;
	s16 =	simm.s32 $0x19420;
	s17 =	simm.s32 $0x4;
	v24 =	vand.u32 $0xFFFF0000, v33;
	v23 =	vshll.u32 v37, $0x10;
	v21 =	vshll.u32 v4, $0x10  }
.LBB2_9:
0x1b5: {  	v25 =	vld [tilespmem:s14+$0xB0];
	v26 =	vshll.u32 v2, $0x10;
	v4 =	vand.u32 $0xFFFF0000, v4;
	v2 =	vand.u32 $0xFFFF0000, v2;
	s0 =	sadd.s32 $0x200, s0  }
0x1b6: {  	v5 =	vadd.f32 v11, v5;
	v6 =	vadd.f32 v12, v6;
	v11 =	vmul.f32 v19, v17;
	v27 =	vld [tilespmem:s0+$0xB0]  }
0x1b7: {  	v17 =	vmul.f32 v24, v18;
	v7 =	vadd.f32 v13, v7;
	v8 =	vadd.f32 v15, v8;
	v12 =	vld [tilespmem:s14+$0xA0]  }
0x1b8: {  	v15 =	vmul.f32 v23, v20;
	v9 =	vadd.f32 v14, v9;
	v10 =	vadd.f32 v16, v10;
	v13 =	vld [tilespmem:s0+$0xA0]  }
0x1b9: {  	v3 =	vmul.f32 v22, v3;
	v5 =	vadd.f32 v11, v5;
	v11 =	vmul.f32 v26, v21;
	v14 =	vld [tilespmem:s14+$0x90]  }
0x1ba: {  	v2 =	vmul.f32 v2, v4;
	v6 =	vadd.f32 v17, v6;
	v7 =	vadd.f32 v15, v7;
	v16 =	vld [tilespmem:s14+$0x80]  }
0x1bb: {  	s17 =	sadd.s32 $0x4, s17;
	v3 =	vadd.f32 v3, v8;
	v8 =	vadd.f32 v11, v9;
	v4 =	vld [tilespmem:s0+$0x80]  }
0x1bc: {  	p0 =	slt.u32 s17, $0xC4;
	v2 =	vadd.f32 v2, v10;
	v5 =	vadd.f32 v6, v5;
	v9 =	vld [tilespmem:s0+$0x90]  }
0x1bd: {  	v3 =	vadd.f32 v3, v7;
	v7 =	vadd.f32 v1, v0;
	v0 =	vmov v8;
	v6 =	vld [tilespmem:s0+$0xFFFFFF00]  }
0x1be: {  	v11 =	vshll.u32 v25, $0x10;
	v1 =	vmovc v2;
	v15 =	vshll.u32 v27, $0x10;
	v10 =	vshll.u32 v12, $0x10;
	v8 =	vld [tilespmem:s14+$0xFFFFFF80];
	[tilespmem:s31+$0xFFFFFFE0] =	vst v5  }
0x1bf: {  	v18 =	vshll.u32 v13, $0x10;
	v17 =	vshll.u32 v14, $0x10;
	v2 =	vld [tilespmem:s0+$0xFFFFFF80];
	v5 =	vshll.u32 v16, $0x10;
	[tilespmem:s31+$0xFFFFFFF0] =	vst v3  }
0x1c0: {  	v16 =	vand.u32 $0xFFFF0000, v16;
	v3 =	vld [tilespmem:s14+$0x0];
	v19 =	vshll.u32 v4, $0x10;
	v4 =	vand.u32 $0xFFFF0000, v4;
	[tilespmem:s16+$0x0] =	vst v7;
	s16 =	smov.u32 s31  }
0x1c1: {  	v7 =	vld [tilespmem:s0+$0x0];
	v5 =	vmul.f32 v19, v5;
	v4 =	vmul.f32 v4, v16;
	v16 =	vshll.u32 v9, $0x10  }
0x1c2: {  	v14 =	vand.u32 $0xFFFF0000, v14;
	v9 =	vand.u32 $0xFFFF0000, v9;
	v19 =	vld [tilespmem:s14+$0xFFFFFF00];
	v16 =	vmul.f32 v16, v17  }
0x1c3: {  	v9 =	vmul.f32 v9, v14;
	v17 =	vld [tilespmem:s14+$0xFFFFFF10];
	v5 =	vadd.f32 $0.0e+00, v5;
	v4 =	vadd.f32 $0.0e+00, v4  }
0x1c4: {  	v12 =	vand.u32 $0xFFFF0000, v12;
	v13 =	vand.u32 $0xFFFF0000, v13;
	v10 =	vmul.f32 v18, v10;
	v14 =	vld [tilespmem:s0+$0xFFFFFF10]  }
0x1c5: {  	v18 =	vld [tilespmem:s14+$0xFFFFFF90];
	v5 =	vadd.f32 v16, v5;
	v4 =	vadd.f32 v9, v4;
	v9 =	vmul.f32 v13, v12  }
0x1c6: {  	v11 =	vmul.f32 v15, v11;
	v13 =	vand.u32 $0xFFFF0000, v25;
	v16 =	vand.u32 $0xFFFF0000, v27;
	v12 =	vld [tilespmem:s0+$0xFFFFFF90]  }
0x1c7: {  	v15 =	vld [tilespmem:s14+$0x10];
	v5 =	vadd.f32 v10, v5;
	v4 =	vadd.f32 v9, v4;
	v9 =	vmul.f32 v16, v13  }
0x1c8: {  	v10 =	vshll.u32 v19, $0x10;
	v13 =	vshll.u32 v6, $0x10;
	v16 =	vand.u32 $0xFFFF0000, v19;
	v19 =	vld [tilespmem:s0+$0x10]  }
0x1c9: {  	v6 =	vand.u32 $0xFFFF0000, v6;
	v20 =	vld [tilespmem:s14+$0xFFFFFF20];
	v5 =	vadd.f32 v11, v5;
	v4 =	vadd.f32 v9, v4  }
0x1ca: {  	v21 =	vshll.u32 v2, $0x10;
	v11 =	vshll.u32 v8, $0x10;
	v8 =	vand.u32 $0xFFFF0000, v8;
	v9 =	vld [tilespmem:s0+$0xFFFFFF20]  }
0x1cb: {  	v2 =	vand.u32 $0xFFFF0000, v2;
	v23 =	vshll.u32 v3, $0x10;
	v22 =	vld [tilespmem:s14+$0xFFFFFFA0];
	v4 =	vadd.f32 v4, v5  }
0x1cc: {  	s31 =	sadd.s32 $0x40, s31;
	v3 =	vand.u32 $0xFFFF0000, v3;
	v24 =	vshll.u32 v7, $0x10;
	v7 =	vand.u32 $0xFFFF0000, v7;
	v5 =	vld [tilespmem:s0+$0xFFFFFFA0]  }
0x1cd: {  	s30 =	simm.s32 $0x1A108;
	v10 =	vmul.f32 v13, v10;
	v6 =	vmul.f32 v6, v16;
	v13 =	vshll.u32 v17, $0x10;
	v16 =	vld [tilespmem:s14+$0x20];
	[tilespmem:s31+$0x10] =	vst v4  }
0x1ce: {  	v11 =	vmul.f32 v21, v11;
	v2 =	vmul.f32 v2, v8;
	v4 =	vshll.u32 v14, $0x10;
	v8 =	vld [tilespmem:s0+$0x20]  }
0x1cf: {  	v23 =	vmul.f32 v24, v23;
	v3 =	vmul.f32 v7, v3;
	v17 =	vand.u32 $0xFFFF0000, v17;
	v21 =	vld [tilespmem:s14+$0xFFFFFF30]  }
0x1d0: {  	v7 =	vand.u32 $0xFFFF0000, v14;
	v25 =	vshll.u32 v12, $0x10;
	v14 =	vshll.u32 v18, $0x10;
	v24 =	vld [tilespmem:s0+$0xFFFFFF30]  }
0x1d1: {  	v12 =	vand.u32 $0xFFFF0000, v12;
	v27 =	vshll.u32 v15, $0x10;
	v18 =	vand.u32 $0xFFFF0000, v18;
	v26 =	vld [tilespmem:s14+$0xFFFFFFB0]  }
0x1d2: {  	v15 =	vand.u32 $0xFFFF0000, v15;
	v29 =	vshll.u32 v19, $0x10;
	v19 =	vand.u32 $0xFFFF0000, v19;
	v28 =	vld [tilespmem:s0+$0xFFFFFFB0]  }
0x1d3: {  	v10 =	vadd.f32 $0.0e+00, v10;
	v6 =	vadd.f32 $0.0e+00, v6;
	v13 =	vmul.f32 v4, v13;
	v4 =	vld [tilespmem:s14+$0x30]  }
0x1d4: {  	v7 =	vmul.f32 v7, v17;
	v17 =	vadd.f32 $0.0e+00, v11;
	v30 =	vadd.f32 $0.0e+00, v2;
	v2 =	vld [tilespmem:s0+$0x30]  }
0x1d5: {  	v23 =	vadd.f32 $0.0e+00, v23;
	v3 =	vadd.f32 $0.0e+00, v3;
	v14 =	vmul.f32 v25, v14  }
0x1d6: {  	v11 =	vshll.u32 v20, $0x10;
	v18 =	vmul.f32 v12, v18;
	v25 =	vmul.f32 v29, v27  }
0x1d7: {  	v20 =	vand.u32 $0xFFFF0000, v20;
	v15 =	vmul.f32 v19, v15;
	v12 =	vshll.u32 v9, $0x10  }
0x1d8: {  	v9 =	vand.u32 $0xFFFF0000, v9;
	v19 =	vshll.u32 v22, $0x10;
	v27 =	vshll.u32 v5, $0x10  }
0x1d9: {  	v22 =	vand.u32 $0xFFFF0000, v22;
	v29 =	vand.u32 $0xFFFF0000, v5;
	v31 =	vshll.u32 v16, $0x10  }
0x1da: {  	v16 =	vand.u32 $0xFFFF0000, v16;
	v32 =	vshll.u32 v8, $0x10;
	v33 =	vand.u32 $0xFFFF0000, v8  }
0x1db: {  	v6 =	vadd.f32 v7, v6;
	v11 =	vmul.f32 v12, v11;
	v5 =	vadd.f32 v13, v10  }
0x1dc: {  	v12 =	vmul.f32 v9, v20;
	v7 =	vadd.f32 v14, v17;
	v8 =	vadd.f32 v18, v30  }
.Ltmp3:
0x1dd: {  	v9 =	vadd.f32 v25, v23;
	v10 =	vadd.f32 v15, v3;
	v13 =	vmul.f32 v27, v19;
	(pc) =	sbr.rel @p0 .LBB2_9-.Ltmp3, $4  }
0x1de: {  	v15 =	vmul.f32 v29, v22;
	v17 =	vshll.u32 v21, $0x10;
	v14 =	vmul.f32 v32, v31  }
0x1df: {  	v18 =	vand.u32 $0xFFFF0000, v21;
	v16 =	vmul.f32 v33, v16;
	v19 =	vshll.u32 v24, $0x10  }
0x1e0: {  	v24 =	vand.u32 $0xFFFF0000, v24;
	v20 =	vshll.u32 v26, $0x10;
	v23 =	vshll.u32 v28, $0x10  }
0x1e1: {  	s14 =	sadd.s32 $0x200, s14;
	v3 =	vand.u32 $0xFFFF0000, v26;
	v22 =	vand.u32 $0xFFFF0000, v28;
	v21 =	vshll.u32 v4, $0x10  }
0x1e2: {  	v25 =	vshll.u32 v2, $0x10  }
0x1e3: {  	v4 =	vand.u32 $0xFFFF0000, v4;
	v2 =	vand.u32 $0xFFFF0000, v2;
	v5 =	vadd.f32 v11, v5  }
0x1e4: {  	v6 =	vadd.f32 v12, v6;
	v59 =	vmul.f32 v19, v17;
	v60 =	vmul.f32 v24, v18  }
0x1e5: {  	v7 =	vadd.f32 v13, v7;
	v8 =	vadd.f32 v15, v8;
	v61 =	vmul.f32 v23, v20  }
0x1e6: {  	v9 =	vadd.f32 v14, v9;
	v10 =	vadd.f32 v16, v10;
	v3 =	vmul.f32 v22, v3  }
0x1e7: {  	v0 =	vadd.f32 v1, v0;
	v62 =	vmul.f32 v25, v21;
	v5 =	vadd.f32 v59, v5  }
0x1e8: {  	v2 =	vmul.f32 v2, v4;
	v6 =	vadd.f32 v60, v6;
	v7 =	vadd.f32 v61, v7  }
0x1e9: {  	v3 =	vadd.f32 v3, v8;
	v63 =	vadd.f32 v62, v9  }
0x1ea: {  	v2 =	vadd.f32 v2, v10;
	v5 =	vadd.f32 v6, v5  }
0x1eb: {  	[tilespmem:s16+$0x0] =	vst v0;
	v3 =	vadd.f32 v3, v7  }
0x1ec: {  	v1 =	vadd.f32 v2, v63;
	[tilespmem:s31+$0xFFFFFFE0] =	vst v5  }
0x1ed: {  	[tilespmem:s31+$0xFFFFFFF0] =	vst v3  }
0x1ee: {  	[tilespmem:s31+$0x0] =	vst v1  }
0x1ef: {  	v0 =	vld [tilespmem:s29+$0xFFFFFFE4]  }
0x1f0: {  	v1 =	vld [tilespmem:s29+$0xFFFFFFE0];
	_ =	sdelay $0x1  }
0x1f1: {  	v2 =	vld [tilespmem:s29+$0xFFFFFFE8];
	_ =	sdelay $0x1  }
0x1f2: {  	v3 =	vld [tilespmem:s29+$0xFFFFFFEC]  }
0x1f3: {  	v0 =	vadd.f32 v0, v1;
	_ =	sdelay $0x1  }
0x1f4: {  	v0 =	vadd.f32 v2, v0;
	_ =	sdelay $0x1  }
0x1f5: {  	v0 =	vadd.f32 v3, v0;
	_ =	sdelay $0x1  }
0x1f6: {  	[tilespmem:s30+$0xFFFFFFF8] =	vst v0  }
0x1f7: {  	v0 =	vld [tilespmem:s29+$0xFFFFFFF0]  }
0x1f8: {  	v1 =	vld [tilespmem:s29+$0xFFFFFFF4];
	_ =	sdelay $0x1  }
0x1f9: {  	v2 =	vld [tilespmem:s29+$0xFFFFFFF8];
	_ =	sdelay $0x1  }
0x1fa: {  	v3 =	vld [tilespmem:s29+$0xFFFFFFFC]  }
0x1fb: {  	v0 =	vadd.f32 v1, v0;
	_ =	sdelay $0x1  }
0x1fc: {  	v0 =	vadd.f32 v2, v0;
	_ =	sdelay $0x1  }
0x1fd: {  	v0 =	vadd.f32 v3, v0;
	_ =	sdelay $0x1  }
0x1fe: {  	[tilespmem:s30+$0xFFFFFFFC] =	vst v0  }
0x1ff: {  	v0 =	vld [tilespmem:s29+$0x0]  }
0x200: {  	v1 =	vld [tilespmem:s29+$0x4];
	_ =	sdelay $0x1  }
0x201: {  	v2 =	vld [tilespmem:s29+$0x8];
	_ =	sdelay $0x1  }
0x202: {  	v3 =	vld [tilespmem:s29+$0xC]  }
0x203: {  	v0 =	vadd.f32 v1, v0;
	_ =	sdelay $0x1  }
0x204: {  	v0 =	vadd.f32 v2, v0;
	_ =	sdelay $0x1  }
0x205: {  	v0 =	vadd.f32 v3, v0;
	_ =	sdelay $0x1  }
0x206: {  	[tilespmem:s30+$0x0] =	vst v0  }
0x207: {  	v2 =	vld [tilespmem:s29+$0x10]  }
0x208: {  	v3 =	vld [tilespmem:s29+$0x14];
	_ =	sdelay $0x1  }
0x209: {  	v1 =	vld [tilespmem:s29+$0x18];
	_ =	sdelay $0x1  }
0x20a: {  	v0 =	vld [tilespmem:s29+$0x1C]  }
0x20b: {  	v2 =	vadd.f32 v3, v2  }
0x20c: {  	s14 =	simm.s32 $0x1A108;
	s8 =	simm.s32 $0x1A108  }
.LBB2_11:
0x20d: {  	s1 =	sadd.s32 $0x4, s1;
	v1 =	vadd.f32 v1, v2;
	s29 =	sadd.s32 $0x40, s29;
	s14 =	sadd.s32 $0x10, s14  }
0x20e: {  	p0 =	slt.u32 s1, $0xC4  }
0x20f: {  	v0 =	vadd.f32 v0, v1;
	_ =	sdelay $0x1  }
0x210: {  	[tilespmem:s8+$0x4] =	vst v0;
	s8 =	smov.u32 s14  }
0x211: {  	v0 =	vld [tilespmem:s29+$0xFFFFFFE4]  }
0x212: {  	v1 =	vld [tilespmem:s29+$0xFFFFFFE0];
	_ =	sdelay $0x1  }
0x213: {  	v2 =	vld [tilespmem:s29+$0xFFFFFFE8];
	_ =	sdelay $0x1  }
0x214: {  	v3 =	vld [tilespmem:s29+$0xFFFFFFEC]  }
0x215: {  	v0 =	vadd.f32 v0, v1;
	_ =	sdelay $0x1  }
0x216: {  	v0 =	vadd.f32 v2, v0;
	_ =	sdelay $0x1  }
0x217: {  	v0 =	vadd.f32 v3, v0;
	_ =	sdelay $0x1  }
0x218: {  	[tilespmem:s14+$0xFFFFFFF8] =	vst v0  }
0x219: {  	v0 =	vld [tilespmem:s29+$0xFFFFFFF0]  }
0x21a: {  	v1 =	vld [tilespmem:s29+$0xFFFFFFF4];
	_ =	sdelay $0x1  }
0x21b: {  	v2 =	vld [tilespmem:s29+$0xFFFFFFF8];
	_ =	sdelay $0x1  }
0x21c: {  	v3 =	vld [tilespmem:s29+$0xFFFFFFFC]  }
0x21d: {  	v0 =	vadd.f32 v1, v0;
	_ =	sdelay $0x1  }
0x21e: {  	v0 =	vadd.f32 v2, v0;
	_ =	sdelay $0x1  }
0x21f: {  	v0 =	vadd.f32 v3, v0;
	_ =	sdelay $0x1  }
0x220: {  	[tilespmem:s14+$0xFFFFFFFC] =	vst v0  }
0x221: {  	v0 =	vld [tilespmem:s29+$0x0]  }
0x222: {  	v1 =	vld [tilespmem:s29+$0x4];
	_ =	sdelay $0x1  }
0x223: {  	v2 =	vld [tilespmem:s29+$0x8];
	_ =	sdelay $0x1  }
0x224: {  	v3 =	vld [tilespmem:s29+$0xC]  }
0x225: {  	v0 =	vadd.f32 v1, v0;
	_ =	sdelay $0x1  }
0x226: {  	v0 =	vadd.f32 v2, v0;
	_ =	sdelay $0x1  }
0x227: {  	v0 =	vadd.f32 v3, v0;
	_ =	sdelay $0x1  }
0x228: {  	[tilespmem:s14+$0x0] =	vst v0  }
0x229: {  	v2 =	vld [tilespmem:s29+$0x10]  }
0x22a: {  	v3 =	vld [tilespmem:s29+$0x14]  }
0x22b: {  	v1 =	vld [tilespmem:s29+$0x18]  }
.Ltmp4:
0x22c: {  	v0 =	vld [tilespmem:s29+$0x1C];
	(pc) =	sbr.rel @p0 .LBB2_11-.Ltmp4, $3  }
0x22d: {  	_ =	sdelay $0x1  }
0x22e: {  	v2 =	vadd.f32 v3, v2  }
0x22f: {  	s0 =	simm.s32 $0x1A482  }
0x230: {  	v1 =	vadd.f32 v1, v2;
	_ =	sdelay $0x1  }
0x231: {  	v0 =	vadd.f32 v0, v1;
	_ =	sdelay $0x1  }
0x232: {  	[tilespmem:s8+$0x4] =	vst v0  }
0x233: {  	v0 =	vld [tilespmem:s30+$0xFFFFFFF9]  }
0x234: {  	v1 =	vld [tilespmem:s30+$0xFFFFFFF8];
	_ =	sdelay $0x1  }
0x235: {  	v2 =	vld [tilespmem:s30+$0xFFFFFFFA];
	_ =	sdelay $0x1  }
0x236: {  	v3 =	vld [tilespmem:s30+$0xFFFFFFFB]  }
0x237: {  	v0 =	vadd.f32 v0, v1;
	_ =	sdelay $0x1  }
0x238: {  	v0 =	vadd.f32 v2, v0;
	_ =	sdelay $0x1  }
0x239: {  	v0 =	vadd.f32 v3, v0;
	_ =	sdelay $0x1  }
0x23a: {  	[tilespmem:s0+$0xFFFFFFFE] =	vst v0  }
0x23b: {  	v0 =	vld [tilespmem:s30+$0xFFFFFFFC]  }
0x23c: {  	v1 =	vld [tilespmem:s30+$0xFFFFFFFD];
	_ =	sdelay $0x1  }
0x23d: {  	v2 =	vld [tilespmem:s30+$0xFFFFFFFE];
	_ =	sdelay $0x1  }
0x23e: {  	v3 =	vld [tilespmem:s30+$0xFFFFFFFF]  }
0x23f: {  	v0 =	vadd.f32 v1, v0;
	_ =	sdelay $0x1  }
0x240: {  	v0 =	vadd.f32 v2, v0;
	_ =	sdelay $0x1  }
0x241: {  	v0 =	vadd.f32 v3, v0;
	_ =	sdelay $0x1  }
0x242: {  	[tilespmem:s0+$0xFFFFFFFF] =	vst v0  }
0x243: {  	v0 =	vld [tilespmem:s30+$0x0]  }
0x244: {  	v1 =	vld [tilespmem:s30+$0x1];
	_ =	sdelay $0x1  }
0x245: {  	v2 =	vld [tilespmem:s30+$0x2];
	_ =	sdelay $0x1  }
0x246: {  	v3 =	vld [tilespmem:s30+$0x3]  }
0x247: {  	v0 =	vadd.f32 v1, v0;
	_ =	sdelay $0x1  }
0x248: {  	v0 =	vadd.f32 v2, v0;
	_ =	sdelay $0x1  }
0x249: {  	v0 =	vadd.f32 v3, v0;
	_ =	sdelay $0x1  }
0x24a: {  	[tilespmem:s0+$0x0] =	vst v0  }
0x24b: {  	v2 =	vld [tilespmem:s30+$0x4]  }
0x24c: {  	v3 =	vld [tilespmem:s30+$0x5];
	_ =	sdelay $0x1  }
0x24d: {  	v1 =	vld [tilespmem:s30+$0x6];
	_ =	sdelay $0x1  }
0x24e: {  	v0 =	vld [tilespmem:s30+$0x7]  }
0x24f: {  	s1 =	simm.s32 $0x0;
	s8 =	simm.s32 $0x1A482;
	v2 =	vadd.f32 v3, v2  }
.LBB2_13:
0x250: {  	_ = 	snop  }
0x251: {  	s1 =	sadd.s32 $0x4, s1;
	s0 =	sadd.s32 $0x4, s0;
	s30 =	sadd.s32 $0x10, s30;
	v1 =	vadd.f32 v1, v2  }
0x252: {  	p0 =	slt.u32 s1, $0xC4  }
0x253: {  	v0 =	vadd.f32 v0, v1;
	_ =	sdelay $0x1  }
0x254: {  	[tilespmem:s8+$0x1] =	vst v0;
	s8 =	smov.u32 s0  }
0x255: {  	v0 =	vld [tilespmem:s30+$0xFFFFFFF9]  }
0x256: {  	v1 =	vld [tilespmem:s30+$0xFFFFFFF8];
	_ =	sdelay $0x1  }
0x257: {  	v2 =	vld [tilespmem:s30+$0xFFFFFFFA];
	_ =	sdelay $0x1  }
0x258: {  	v3 =	vld [tilespmem:s30+$0xFFFFFFFB]  }
0x259: {  	v0 =	vadd.f32 v0, v1;
	_ =	sdelay $0x1  }
0x25a: {  	v0 =	vadd.f32 v2, v0;
	_ =	sdelay $0x1  }
0x25b: {  	v0 =	vadd.f32 v3, v0;
	_ =	sdelay $0x1  }
0x25c: {  	[tilespmem:s0+$0xFFFFFFFE] =	vst v0  }
0x25d: {  	v0 =	vld [tilespmem:s30+$0xFFFFFFFC]  }
0x25e: {  	v1 =	vld [tilespmem:s30+$0xFFFFFFFD];
	_ =	sdelay $0x1  }
0x25f: {  	v2 =	vld [tilespmem:s30+$0xFFFFFFFE];
	_ =	sdelay $0x1  }
0x260: {  	v3 =	vld [tilespmem:s30+$0xFFFFFFFF]  }
0x261: {  	v0 =	vadd.f32 v1, v0;
	_ =	sdelay $0x1  }
0x262: {  	v0 =	vadd.f32 v2, v0;
	_ =	sdelay $0x1  }
0x263: {  	v0 =	vadd.f32 v3, v0;
	_ =	sdelay $0x1  }
0x264: {  	[tilespmem:s0+$0xFFFFFFFF] =	vst v0  }
0x265: {  	v0 =	vld [tilespmem:s30+$0x0]  }
0x266: {  	v1 =	vld [tilespmem:s30+$0x1];
	_ =	sdelay $0x1  }
0x267: {  	v2 =	vld [tilespmem:s30+$0x2];
	_ =	sdelay $0x1  }
0x268: {  	v3 =	vld [tilespmem:s30+$0x3]  }
0x269: {  	v0 =	vadd.f32 v1, v0;
	_ =	sdelay $0x1  }
0x26a: {  	v0 =	vadd.f32 v2, v0;
	_ =	sdelay $0x1  }
0x26b: {  	v0 =	vadd.f32 v3, v0;
	_ =	sdelay $0x1  }
0x26c: {  	[tilespmem:s0+$0x0] =	vst v0  }
0x26d: {  	v2 =	vld [tilespmem:s30+$0x4]  }
0x26e: {  	v3 =	vld [tilespmem:s30+$0x5]  }
.Ltmp5:
0x26f: {  	v1 =	vld [tilespmem:s30+$0x6];
	(pc) =	sbr.rel @p0 .LBB2_13-.Ltmp5, $2  }
0x270: {  	v0 =	vld [tilespmem:s30+$0x7];
	_ =	sdelay $0x2  }
0x271: {  	v2 =	vadd.f32 v3, v2  }
0x272: {  	_ = 	snop  }
0x273: {  	v1 =	vadd.f32 v1, v2;
	_ =	sdelay $0x1  }
0x274: {  	s26 =	sadd.s32 $0x1, s26;
	v0 =	vadd.f32 v0, v1  }
0x275: {  	p0 =	sne.s32 s26, $0x19  }
.Ltmp6:
0x276: {  	s0 =	sadd.s32 s7, s28;
	[tilespmem:s8+$0x1] =	vst v0;
	(pc) =	sbr.rel @p0 .LBB2_2-.Ltmp6, $4  }
0x277: {  	[hbm4b:s0+s2] =	stream.linear.scatter [tilespmem:s24], [sflag:$0x3], $0xC8, $0x38;
	[tilespmem:$0x1A580] =	vst v63  }
0x278: {  	_ =	swait.ge [sflag:s13], $0xC8  }
0x279: {  	[sflag:s13] =	ssyncset.done $0x0  }
0x27a: {  	[sflag:s13] =	ssyncadd.s32 $0xFFFFFF38  }
0x27b: {  	s25 =	sadd.s32 $0x1, s25  }
0x27c: {  	p0 =	sne.s32 s25, s12  }
.Ltmp7:
0x27d: {  	_ = 	snop;
	(pc) =	sbr.rel @p0 .LBB2_1-.Ltmp7, $1  }
0x27e: {  	_ =	sdelay $0x3  }
0x27f: {  	_ =	sfence.sel $0x180000  }
0x280: {  	[bflag:$0x0] =	sbarrier.arrive $0xFFFF  }
0x281: {  	_ =	strace $0x90000047  }
0x282: {  	s0 =	stileid.u32;
	[bflag:$0x2] =	sbarrier.arrive $0xFFFF  }
0x283: {  	p0 =	sne.s32 s0, $0x0;
	s0 =	rddreg [dreg:$0x1]  }
0x284: {  	s0 =	sadd.s32 @!p0 $0x100000, s0  }
0x285: {  	[sflag:s0] =	ssyncadd.tile.s32 @!p0 $0x1;
	_ =	shalt  }
.Lfunc_end2:
_tile_overlayer_lowered:
.L_overlay_start_2:
0x286: {  	(tag) =	ssettag $0x2  }
0x287: {  	s0 =	rddreg [dreg:$0x0];
	s2 =	stileid.u32  }
0x288: {  	s1 =	rddreg [dreg:$0x1];
	p0 =	sne.s32 s2, $0x0  }
0x289: {  	s3 =	rddreg [dreg:$0x2];
	[bflag:$0x3] =	sbarrier.arrive $0xFFFF;
	s2 =	simm.s32 @!p0 $0x1C03  }
0x28a: {  	[timem:s3], [sflag:s2] =	dma.local @!p0 [hbm:s0], s1  }
0x28b: {  	s0 =	simm.s32 @!p0 $0x3  }
0x28c: {  	_ =	swait.ge @!p0 [sflag:s0], s1  }
0x28d: {  	s1 =	ssub.s32 @!p0 $0x0, s1;
	[sflag:s0] =	ssyncset.done @!p0 $0x0  }
0x28e: {  	[sflag:s0] =	ssyncadd.s32 @!p0 s1  }
0x28f: {  	[bflag:$0x3] =	sbarrier.arrive $0xFFFF  }
0x290: {  	_ =	shalt  }

</sc_bundles>
